<compile_context>
chip_gen: v7x
topology: tpu7x:2x2x1
jax: 0.10.2.dev20260603
libtpu: 0.0.44.dev20260713+nightly
codegen_flags: <defaults>
</compile_context>

<pallas_src>
import functools

import jax
import jax.numpy as jnp
from jax import lax
from jax.experimental import pallas as pl
from jax.experimental.pallas import tpu as pltpu
from jax.experimental.pallas import tpu_sc as plsc

N_NODES = 10000
N_EDGES = 320000
D_FEAT = 128
D_EDGE = 16
HIDDEN = 64

NUM_CORES = 2
NUM_SUBCORES = 16
NUM_TILES = NUM_CORES * NUM_SUBCORES

CHUNK = 125
EDGES_PER_TILE = N_EDGES // NUM_TILES
CHUNKS_PER_TILE = EDGES_PER_TILE // CHUNK
NUM_CHUNK_ROWS = N_EDGES // CHUNK
N_ACC = N_NODES
NSLICE = 1
ROWS_PER_SUBCORE = N_ACC // NUM_SUBCORES

_SC_MESH = dict(core_axis_name="c", subcore_axis_name="s",
                num_cores=NUM_CORES, num_subcores=NUM_SUBCORES)
_SC_PARAMS = pltpu.CompilerParams(use_tc_tiling_on_sc=False)


def _xa_body(x_ref, w_ref, o_ref):
    o_ref[...] = jnp.dot(x_ref[...], w_ref[...],
                         preferred_element_type=jnp.float32)


def _compute_xa(x, w1a):
    return pl.pallas_call(
        _xa_body,
        out_shape=jax.ShapeDtypeStruct((N_NODES, HIDDEN), jnp.float32),
    )(x, w1a)


G_SUP_CH = 4
G_SUP_E = G_SUP_CH * CHUNK


def _gather_body(n_chunks_pt, xa_hbm, src2_hbm, g_hbm, idx2, big0, big1,
                 gs0, gs1, ss0, ss1):
    n_supers = n_chunks_pt // G_SUP_CH
    wid = lax.axis_index("s") * NUM_CORES + lax.axis_index("c")
    crow = wid * n_chunks_pt
    base = wid * n_chunks_pt * CHUNK
    bigs = (big0, big1)
    gsems = (gs0, gs1)
    ssems = (ss0, ss1)

    pltpu.sync_copy(src2_hbm.at[pl.ds(crow, n_chunks_pt)], idx2)

    @pl.loop(0, n_supers // 2)
    def _(p):
        for b in range(2):
            s = p * 2 + b

            @pl.when(p > 0)
            def _():
                pltpu.make_async_copy(
                    g_hbm.at[pl.ds(base, G_SUP_E)], bigs[b], ssems[b]).wait()

            descs = []
            for j in range(G_SUP_CH):
                c = s * G_SUP_CH + j
                descs.append(pltpu.async_copy(
                    xa_hbm.at[idx2.at[c]],
                    bigs[b].at[pl.ds(j * CHUNK, CHUNK)], gsems[b]))
            for d in descs:
                d.wait()
            pltpu.async_copy(bigs[b],
                             g_hbm.at[pl.ds(base + s * G_SUP_E, G_SUP_E)],
                             ssems[b])

    for b in range(2):
        pltpu.make_async_copy(
            g_hbm.at[pl.ds(base, G_SUP_E)], bigs[b], ssems[b]).wait()


def _sc_gather(xa, src2):
    n_edges = src2.shape[0] * CHUNK
    n_chunks_pt = src2.shape[0] // NUM_TILES
    k = pl.kernel(
        functools.partial(_gather_body, n_chunks_pt),
        out_type=jax.ShapeDtypeStruct((n_edges, HIDDEN), jnp.float32),
        mesh=plsc.VectorSubcoreMesh(**_SC_MESH),
        scratch_types=[
            pltpu.VMEM((n_chunks_pt, CHUNK), jnp.int32),
            pltpu.VMEM((G_SUP_E, HIDDEN), jnp.float32),
            pltpu.VMEM((G_SUP_E, HIDDEN), jnp.float32),
            pltpu.SemaphoreType.DMA,
            pltpu.SemaphoreType.DMA,
            pltpu.SemaphoreType.DMA,
            pltpu.SemaphoreType.DMA,
        ],
        compiler_params=_SC_PARAMS,
    )
    return k(xa, src2)


N_E2 = N_EDGES // 2
BLOCK_R = 2000
_INV_H = 1.0 / HIDDEN


def _ln2(h, mstat, gamma, beta):
    mu = jnp.dot(h, mstat, preferred_element_type=jnp.float32)
    d = h - mu
    var = jnp.dot(d * d, mstat, preferred_element_type=jnp.float32)
    return d * lax.rsqrt(var + 1e-5) * gamma + beta


def _mlp_body(g_ref, ea_ref, w1b_ref, mstat_ref, b1_ref, g1_ref, beta1_ref,
              w2_ref, b2_ref, g2_ref, beta2_ref, o_ref):
    mstat = mstat_ref[...]
    lane = lax.broadcasted_iota(jnp.int32, (1, 2 * HIDDEN), 1)
    m_low = (lane < HIDDEN).astype(jnp.float32)
    r = jnp.dot(ea_ref[...], w1b_ref[...],
                preferred_element_type=jnp.float32)
    re = r.reshape(BLOCK_R, 2, 2 * HIDDEN)
    ea = re[:, 0, :] * m_low + re[:, 1, :] * (1.0 - m_low)
    h = jnp.maximum(g_ref[...] + ea + b1_ref[...], 0.0)
    h = _ln2(h, mstat, g1_ref[...], beta1_ref[...])
    h = jnp.dot(h, w2_ref[...],
                preferred_element_type=jnp.float32) + b2_ref[...]
    h = jnp.maximum(h, 0.0)
    o_ref[...] = _ln2(h, mstat, g2_ref[...], beta2_ref[...])


def _edge_mlp(g2, ea2, w1b_blk, mstat, b1_blk, g1_blk, beta1_blk,
              w2_blk, b2_blk, g2_blk, beta2_blk):
    vec = pl.BlockSpec((1, 2 * HIDDEN), lambda i: (0, 0))
    return pl.pallas_call(
        _mlp_body,
        grid=(g2.shape[0] // BLOCK_R,),
        in_specs=[
            pl.BlockSpec((BLOCK_R, 2 * HIDDEN), lambda i: (i, 0)),
            pl.BlockSpec((2 * BLOCK_R, D_EDGE), lambda i: (i, 0)),
            pl.BlockSpec((D_EDGE, 2 * HIDDEN), lambda i: (0, 0)),
            pl.BlockSpec((2 * HIDDEN, 2 * HIDDEN), lambda i: (0, 0)),
            vec, vec, vec,
            pl.BlockSpec((2 * HIDDEN, 2 * HIDDEN), lambda i: (0, 0)),
            vec, vec, vec,
        ],
        out_specs=pl.BlockSpec((BLOCK_R, 2 * HIDDEN), lambda i: (i, 0)),
        out_shape=jax.ShapeDtypeStruct((g2.shape[0], 2 * HIDDEN), jnp.float32),
    )(g2, ea2, w1b_blk, mstat, b1_blk, g1_blk, beta1_blk,
      w2_blk, b2_blk, g2_blk, beta2_blk)


SUP_CH = 4
SUP_E = SUP_CH * CHUNK
SUPERS_PER_TILE = CHUNKS_PER_TILE // SUP_CH


def _scatter_body(n_chunks_pt, h2_hbm, dst2_hbm, zeros_hbm, out_hbm,
                  idx2, big0, big1, ls0, ls1, accum):
    n_supers = n_chunks_pt // SUP_CH
    core = lax.axis_index("c")
    sid = lax.axis_index("s")
    wid = sid * NUM_CORES + core
    crow = wid * n_chunks_pt
    base = wid * n_chunks_pt * CHUNK
    stripe = sid * ROWS_PER_SUBCORE
    bigs = (big0, big1)
    lsems = (ls0, ls1)

    pltpu.sync_copy(zeros_hbm, accum.at[pl.ds(stripe, ROWS_PER_SUBCORE)])
    pltpu.sync_copy(dst2_hbm.at[pl.ds(crow, n_chunks_pt)], idx2)
    plsc.subcore_barrier()

    @pl.loop(0, n_supers // 2)
    def _(p):
        loads = []
        for b in range(2):
            s = p * 2 + b
            loads.append(pltpu.async_copy(
                h2_hbm.at[pl.ds(base + s * SUP_E, SUP_E)], bigs[b], lsems[b]))
        for b in range(2):
            s = p * 2 + b
            loads[b].wait()
            for j in range(SUP_CH):
                pltpu.sync_copy(bigs[b].at[pl.ds(j * CHUNK, CHUNK)],
                                accum.at[idx2.at[s * SUP_CH + j]], add=True)

    plsc.subcore_barrier()
    pltpu.sync_copy(accum.at[pl.ds(stripe, ROWS_PER_SUBCORE)],
                    out_hbm.at[pl.ds(core * N_ACC + stripe,
                                     ROWS_PER_SUBCORE)])


def _sc_scatter_add(h2, dst2, zeros):
    n_chunks_pt = dst2.shape[0] // NUM_TILES
    k = pl.kernel(
        functools.partial(_scatter_body, n_chunks_pt),
        out_type=jax.ShapeDtypeStruct((NUM_CORES * N_ACC, HIDDEN),
                                      jnp.float32),
        mesh=plsc.VectorSubcoreMesh(**_SC_MESH),
        scratch_types=[
            pltpu.VMEM((n_chunks_pt, CHUNK), jnp.int32),
            pltpu.VMEM((SUP_E, HIDDEN), jnp.float32),
            pltpu.VMEM((SUP_E, HIDDEN), jnp.float32),
            pltpu.SemaphoreType.DMA,
            pltpu.SemaphoreType.DMA,
            pltpu.VMEM_SHARED((N_ACC, HIDDEN), jnp.float32),
        ],
        compiler_params=_SC_PARAMS,
    )
    return k(h2, dst2, zeros)


def _sum_body(p_ref, o_ref):
    acc = p_ref[0]
    for i in range(1, p_ref.shape[0]):
        acc = acc + p_ref[i]
    o_ref[...] = acc


def _sum_partials(partials_list):
    stacked = jnp.concatenate(partials_list, axis=0)
    n = stacked.shape[0] // N_ACC
    return pl.pallas_call(
        _sum_body,
        out_shape=jax.ShapeDtypeStruct((N_NODES, HIDDEN), jnp.float32),
    )(stacked.reshape(n, N_ACC, HIDDEN))


def _blockdiag2(w):
    k, n = w.shape
    z = jnp.zeros((k, n), w.dtype)
    return jnp.concatenate([jnp.concatenate([w, z], axis=1),
                            jnp.concatenate([z, w], axis=1)], axis=0)


def _dup(v):
    return jnp.concatenate([v, v]).reshape(1, 2 * HIDDEN)


def kernel(x, edge_index, edge_attr, W1, b1, g1, beta1, W2, b2, g2, beta2):
    src = edge_index[0]
    dst = edge_index[1]
    ea_p = edge_attr
    w1a = W1[:D_FEAT]
    w1b = W1[D_FEAT:]
    zeros = jnp.zeros((ROWS_PER_SUBCORE, HIDDEN), jnp.float32)

    xa = _compute_xa(x, w1a)
    mstat = _blockdiag2(jnp.full((HIDDEN, HIDDEN), _INV_H, jnp.float32))
    w1b_blk = jnp.concatenate([w1b, w1b], axis=1)
    w2_blk = _blockdiag2(W2)
    vecs = (_dup(b1), _dup(g1), _dup(beta1))
    vecs2 = (_dup(b2), _dup(g2), _dup(beta2))

    src2 = src.reshape(NUM_CHUNK_ROWS, CHUNK)
    dst2 = dst.reshape(NUM_CHUNK_ROWS, CHUNK)
    ea2 = ea_p

    rows_per_slice = NUM_CHUNK_ROWS // NSLICE
    e2_per_slice = N_E2 // NSLICE
    gs = [_sc_gather(xa, src2[sl * rows_per_slice:(sl + 1) * rows_per_slice])
          for sl in range(NSLICE)]
    h2s = [_edge_mlp(gs[sl].reshape(e2_per_slice, 2 * HIDDEN),
                     ea2[sl * 2 * e2_per_slice:(sl + 1) * 2 * e2_per_slice],
                     w1b_blk, mstat, *vecs, w2_blk, *vecs2)
           for sl in range(NSLICE)]
    partials = [_sc_scatter_add(
        h2s[sl].reshape(rows_per_slice * CHUNK, HIDDEN),
        dst2[sl * rows_per_slice:(sl + 1) * rows_per_slice], zeros)
        for sl in range(NSLICE)]
    return _sum_partials(partials)

# --- scband reference (transcript-rebuilt; emitter-appended) ---
"""Pipeline reference for scband-gr-actor-69870527971684 (READ-ONLY COPY).

The authoritative reference and input builder live on the scoring server;
editing this copy changes nothing except your own understanding.
"""

import jax, jax.numpy as jnp
import numpy as np

N_NODES = 10000
N_EDGES = 320000
D_FEAT = 128
D_EDGE = 16
HIDDEN = 64


def _layernorm(v, g, b, eps=1e-5):
    mu = jnp.mean(v, axis=-1, keepdims=True)
    var = jnp.var(v, axis=-1, keepdims=True)
    return (v - mu) / jnp.sqrt(var + eps) * g + b


def setup_inputs(seed: int = 0) -> dict:
    key = jax.random.key(seed)
    ks = jax.random.split(key, 10)
    x = jax.random.normal(ks[0], (N_NODES, D_FEAT), dtype=jnp.float32)
    edge_index = jax.random.randint(ks[1], (2, N_EDGES), 0, N_NODES, dtype=jnp.int64 if jax.config.jax_enable_x64 else jnp.int32).astype(jnp.int32)
    edge_attr = jax.random.normal(ks[2], (N_EDGES, D_EDGE), dtype=jnp.float32)
    # EmbedConv params: lin1 = Linear(input_dim+edge_dim -> hidden) + ReLU + LayerNorm
    W1 = jax.random.normal(ks[3], (D_FEAT + D_EDGE, HIDDEN), dtype=jnp.float32) * 0.05
    b1 = jnp.zeros((HIDDEN,), dtype=jnp.float32)
    g1 = jnp.ones((HIDDEN,), dtype=jnp.float32)
    beta1 = jnp.zeros((HIDDEN,), dtype=jnp.float32)
    # lin2[0] = Linear(hidden -> hidden) + ReLU + LayerNorm (layer_N = 1)
    W2 = jax.random.normal(ks[4], (HIDDEN, HIDDEN), dtype=jnp.float32) * 0.05
    b2 = jnp.zeros((HIDDEN,), dtype=jnp.float32)
    g2 = jnp.ones((HIDDEN,), dtype=jnp.float32)
    beta2 = jnp.zeros((HIDDEN,), dtype=jnp.float32)
    return {"x": x, "edge_index": edge_index, "edge_attr": edge_attr,
            "W1": W1, "b1": b1, "g1": g1, "beta1": beta1,
            "W2": W2, "b2": b2, "g2": g2, "beta2": beta2}


def reference(x, edge_index, edge_attr, W1, b1, g1, beta1, W2, b2, g2, beta2):
    # EmbedConv.forward: propagate with aggr='add'
    src = edge_index[0]  # x_j (message source)
    dst = edge_index[1]  # x_i (message target)
    x_j = jnp.take(x, src, axis=0)                      # gather [E, d_feat]
    node_feat = jnp.concatenate([x_j, edge_attr], axis=1)  # [E, d_feat+d_edge]
    h = node_feat @ W1 + b1
    h = jax.nn.relu(h)
    h = _layernorm(h, g1, beta1)
    h = h @ W2 + b2
    h = jax.nn.relu(h)
    h = _layernorm(h, g2, beta2)
    out = jax.ops.segment_sum(h, dst, num_segments=N_NODES)  # scatter-add aggregation
    return out

if __name__ == "__main__":
    import jax
    _d = setup_inputs()
    print(jax.jit(kernel)(*tuple(_d.values())))

</pallas_src>

<mosaic_0001>
#map = affine_map<(d0, d1) -> (0, 0)>
module attributes {stable_mosaic.version = 14 : i64} {
  func.func @_gather_body(%arg0: i32, %arg1: i32, %arg2: memref<10000x64xf32, #tpu.memory_space<hbm>>, %arg3: memref<2560x125xi32, #tpu.memory_space<hbm>>, %arg4: memref<320000x64xf32, #tpu.memory_space<hbm>>, %arg5: memref<80x125xi32, #tpu.memory_space<vmem>>, %arg6: memref<500x64xf32, #tpu.memory_space<vmem>>, %arg7: memref<500x64xf32, #tpu.memory_space<vmem>>, %arg8: memref<!tpu.dma_semaphore, #tpu.memory_space<semaphore_mem>>, %arg9: memref<!tpu.dma_semaphore, #tpu.memory_space<semaphore_mem>>, %arg10: memref<!tpu.dma_semaphore, #tpu.memory_space<semaphore_mem>>, %arg11: memref<!tpu.dma_semaphore, #tpu.memory_space<semaphore_mem>>) attributes {dimension_semantics = [#tpu.dimension_semantics<core_parallel>, #tpu.dimension_semantics<subcore_parallel>], iteration_bounds = array<i64: 2, 16>, scalar_prefetch = 0 : i64, scratch_operands = 7 : i64, tpu.core_type = #tpu.core_type<sc_vector_subcore>, window_params = [{transform_indices = #map}, {transform_indices = #map}, {transform_indices = #map}]} {
    %mul3A = arith.constant 2 : i32
    %mul3A_0 = arith.muli %arg1, %mul3A : i32
    %add3A = arith.addi %mul3A_0, %arg0 : i32
    %mul3A_1 = arith.constant 80 : i32
    %mul3A_2 = arith.muli %add3A, %mul3A_1 : i32
    %mul3A_3 = arith.constant 80 : i32
    %mul3A_4 = arith.muli %add3A, %mul3A_3 : i32
    %mul3A_5 = arith.constant 125 : i32
    %mul3A_6 = arith.muli %mul3A_4, %mul3A_5 : i32
    "tpu.region"() ({
      %run_scoped3A = tpu.sem_alloc : memref<!tpu.dma_semaphore, #tpu.memory_space<semaphore_mem>>
      %dma_start3A = arith.constant 0 : i32
      %dma_start3A_18 = tpu.memref_slice %arg3[%mul3A_2, %dma_start3A] : memref<2560x125xi32, #tpu.memory_space<hbm>> -> memref<80x125xi32, #tpu.memory_space<hbm>>
      %dma_start3A_19 = arith.constant 0 : i32
      %dma_start3A_20 = tpu.memref_slice %arg3[%mul3A_2, %dma_start3A_19] : memref<2560x125xi32, #tpu.memory_space<hbm>> -> memref<80x125xi32, #tpu.memory_space<hbm>>
      tpu.enqueue_dma source(%dma_start3A_20 : memref<80x125xi32, #tpu.memory_space<hbm>>) target(%arg5 : memref<80x125xi32, #tpu.memory_space<vmem>>) target_semaphore(%run_scoped3A : memref<!tpu.dma_semaphore, #tpu.memory_space<semaphore_mem>>)
      %dma_wait3A_21 = arith.constant 0 : i32
      %dma_wait3A_22 = tpu.memref_slice %arg3[%mul3A_2, %dma_wait3A_21] : memref<2560x125xi32, #tpu.memory_space<hbm>> -> memref<80x125xi32, #tpu.memory_space<hbm>>
      %dma_wait3A_23 = arith.constant 0 : i32
      %dma_wait3A_24 = tpu.memref_slice %arg3[%mul3A_2, %dma_wait3A_23] : memref<2560x125xi32, #tpu.memory_space<hbm>> -> memref<80x125xi32, #tpu.memory_space<hbm>>
      tpu.wait_dma2 semaphore(%run_scoped3A : memref<!tpu.dma_semaphore, #tpu.memory_space<semaphore_mem>>) src(%dma_wait3A_24 : memref<80x125xi32, #tpu.memory_space<hbm>>) dst(%arg5 : memref<80x125xi32, #tpu.memory_space<vmem>>)
      tpu.yield
    }) : () -> ()
    %scan3A = arith.constant 0 : i32
    %scan3A_7 = arith.constant 10 : i32
    %scan3A_8 = arith.addi %scan3A, %scan3A_7 : i32
    %scan3A_9 = arith.constant 1 : i32
    scf.for %scan3A_18 = %scan3A to %scan3A_8 step %scan3A_9  : i32 {
      %mul3A_19 = arith.constant 1 : i32
      %mul3A_20 = arith.muli %scan3A_18, %mul3A_19 : i32
      %add3A_21 = arith.constant 0 : i32
      %add3A_22 = arith.addi %add3A_21, %mul3A_20 : i32
      %mul3A_23 = arith.constant 2 : i32
      %mul3A_24 = arith.muli %add3A_22, %mul3A_23 : i32
      %add3A_25 = arith.constant 0 : i32
      %add3A_26 = arith.addi %mul3A_24, %add3A_25 : i32
      %gt3A = arith.constant 0 : i32
      %gt3A_27 = arith.cmpi sgt, %add3A_22, %gt3A : i32
      %convert_element_type3A = arith.extui %gt3A_27 : i1 to i32
      %cond3A = arith.constant 0 : i32
      %cond3A_28 = arith.cmpi ne, %convert_element_type3A, %cond3A : i32
      scf.if %cond3A_28 {
        %dma_wait3A_227 = arith.constant 0 : i32
        %dma_wait3A_228 = tpu.memref_slice %arg4[%mul3A_6, %dma_wait3A_227] : memref<320000x64xf32, #tpu.memory_space<hbm>> -> memref<500x64xf32, #tpu.memory_space<hbm>>
        %dma_wait3A_229 = arith.constant 0 : i32
        %dma_wait3A_230 = tpu.memref_slice %arg4[%mul3A_6, %dma_wait3A_229] : memref<320000x64xf32, #tpu.memory_space<hbm>> -> memref<500x64xf32, #tpu.memory_space<hbm>>
        tpu.wait_dma2 semaphore(%arg10 : memref<!tpu.dma_semaphore, #tpu.memory_space<semaphore_mem>>) src(%dma_wait3A_230 : memref<500x64xf32, #tpu.memory_space<hbm>>) dst(%arg6 : memref<500x64xf32, #tpu.memory_space<vmem>>)
      } else {
      }
      %mul3A_29 = arith.constant 4 : i32
      %mul3A_30 = arith.muli %add3A_26, %mul3A_29 : i32
      %add3A_31 = arith.constant 0 : i32
      %add3A_32 = arith.addi %mul3A_30, %add3A_31 : i32
      %dma_start3A = arith.constant 0 : i32
      %dma_start3A_33 = arith.constant 0 : i32
      %dma_start3A_34 = tpu.memref_slice %arg6[%dma_start3A, %dma_start3A_33] : memref<500x64xf32, #tpu.memory_space<vmem>> -> memref<125x64xf32, #tpu.memory_space<vmem>>
      %dma_start3A_35 = arith.constant 0 : i32
      %dma_start3A_36 = tpu.memref_slice %arg5[%add3A_32, %dma_start3A_35] : memref<80x125xi32, #tpu.memory_space<vmem>> -> memref<1x125xi32, #tpu.memory_space<vmem>>
      %dma_start3A_37 = tpu.memref_squeeze %dma_start3A_36 : memref<1x125xi32, #tpu.memory_space<vmem>> -> memref<125xi32, #tpu.memory_space<vmem>>
      %dma_start3A_38 = arith.constant 0 : i32
      %dma_start3A_39 = arith.constant 0 : i32
      %dma_start3A_40 = tpu.memref_slice %arg2[%dma_start3A_38, %dma_start3A_39] : memref<10000x64xf32, #tpu.memory_space<hbm>> -> memref<10000x64xf32, #tpu.memory_space<hbm>>
      tpu.enqueue_indirect_dma source(%dma_start3A_40 : memref<10000x64xf32, #tpu.memory_space<hbm>>) target(%dma_start3A_34 : memref<125x64xf32, #tpu.memory_space<vmem>>) offsets(%dma_start3A_37 : memref<125xi32, #tpu.memory_space<vmem>>) semaphore(%arg8 : memref<!tpu.dma_semaphore, #tpu.memory_space<semaphore_mem>>)
      %mul3A_41 = arith.constant 4 : i32
      %mul3A_42 = arith.muli %add3A_26, %mul3A_41 : i32
      %add3A_43 = arith.constant 1 : i32
      %add3A_44 = arith.addi %mul3A_42, %add3A_43 : i32
      %dma_start3A_45 = arith.constant 125 : i32
      %dma_start3A_46 = arith.constant 0 : i32
      %dma_start3A_47 = tpu.memref_slice %arg6[%dma_start3A_45, %dma_start3A_46] : memref<500x64xf32, #tpu.memory_space<vmem>> -> memref<125x64xf32, #tpu.memory_space<vmem>>
      %dma_start3A_48 = arith.constant 0 : i32
      %dma_start3A_49 = tpu.memref_slice %arg5[%add3A_44, %dma_start3A_48] : memref<80x125xi32, #tpu.memory_space<vmem>> -> memref<1x125xi32, #tpu.memory_space<vmem>>
      %dma_start3A_50 = tpu.memref_squeeze %dma_start3A_49 : memref<1x125xi32, #tpu.memory_space<vmem>> -> memref<125xi32, #tpu.memory_space<vmem>>
      %dma_start3A_51 = arith.constant 0 : i32
      %dma_start3A_52 = arith.constant 0 : i32
      %dma_start3A_53 = tpu.memref_slice %arg2[%dma_start3A_51, %dma_start3A_52] : memref<10000x64xf32, #tpu.memory_space<hbm>> -> memref<10000x64xf32, #tpu.memory_space<hbm>>
      tpu.enqueue_indirect_dma source(%dma_start3A_53 : memref<10000x64xf32, #tpu.memory_space<hbm>>) target(%dma_start3A_47 : memref<125x64xf32, #tpu.memory_space<vmem>>) offsets(%dma_start3A_50 : memref<125xi32, #tpu.memory_space<vmem>>) semaphore(%arg8 : memref<!tpu.dma_semaphore, #tpu.memory_space<semaphore_mem>>)
      %mul3A_54 = arith.constant 4 : i32
      %mul3A_55 = arith.muli %add3A_26, %mul3A_54 : i32
      %add3A_56 = arith.constant 2 : i32
      %add3A_57 = arith.addi %mul3A_55, %add3A_56 : i32
      %dma_start3A_58 = arith.constant 250 : i32
      %dma_start3A_59 = arith.constant 0 : i32
      %dma_start3A_60 = tpu.memref_slice %arg6[%dma_start3A_58, %dma_start3A_59] : memref<500x64xf32, #tpu.memory_space<vmem>> -> memref<125x64xf32, #tpu.memory_space<vmem>>
      %dma_start3A_61 = arith.constant 0 : i32
      %dma_start3A_62 = tpu.memref_slice %arg5[%add3A_57, %dma_start3A_61] : memref<80x125xi32, #tpu.memory_space<vmem>> -> memref<1x125xi32, #tpu.memory_space<vmem>>
      %dma_start3A_63 = tpu.memref_squeeze %dma_start3A_62 : memref<1x125xi32, #tpu.memory_space<vmem>> -> memref<125xi32, #tpu.memory_space<vmem>>
      %dma_start3A_64 = arith.constant 0 : i32
      %dma_start3A_65 = arith.constant 0 : i32
      %dma_start3A_66 = tpu.memref_slice %arg2[%dma_start3A_64, %dma_start3A_65] : memref<10000x64xf32, #tpu.memory_space<hbm>> -> memref<10000x64xf32, #tpu.memory_space<hbm>>
      tpu.enqueue_indirect_dma source(%dma_start3A_66 : memref<10000x64xf32, #tpu.memory_space<hbm>>) target(%dma_start3A_60 : memref<125x64xf32, #tpu.memory_space<vmem>>) offsets(%dma_start3A_63 : memref<125xi32, #tpu.memory_space<vmem>>) semaphore(%arg8 : memref<!tpu.dma_semaphore, #tpu.memory_space<semaphore_mem>>)
      %mul3A_67 = arith.constant 4 : i32
      %mul3A_68 = arith.muli %add3A_26, %mul3A_67 : i32
      %add3A_69 = arith.constant 3 : i32
      %add3A_70 = arith.addi %mul3A_68, %add3A_69 : i32
      %dma_start3A_71 = arith.constant 375 : i32
      %dma_start3A_72 = arith.constant 0 : i32
      %dma_start3A_73 = tpu.memref_slice %arg6[%dma_start3A_71, %dma_start3A_72] : memref<500x64xf32, #tpu.memory_space<vmem>> -> memref<125x64xf32, #tpu.memory_space<vmem>>
      %dma_start3A_74 = arith.constant 0 : i32
      %dma_start3A_75 = tpu.memref_slice %arg5[%add3A_70, %dma_start3A_74] : memref<80x125xi32, #tpu.memory_space<vmem>> -> memref<1x125xi32, #tpu.memory_space<vmem>>
      %dma_start3A_76 = tpu.memref_squeeze %dma_start3A_75 : memref<1x125xi32, #tpu.memory_space<vmem>> -> memref<125xi32, #tpu.memory_space<vmem>>
      %dma_start3A_77 = arith.constant 0 : i32
      %dma_start3A_78 = arith.constant 0 : i32
      %dma_start3A_79 = tpu.memref_slice %arg2[%dma_start3A_77, %dma_start3A_78] : memref<10000x64xf32, #tpu.memory_space<hbm>> -> memref<10000x64xf32, #tpu.memory_space<hbm>>
      tpu.enqueue_indirect_dma source(%dma_start3A_79 : memref<10000x64xf32, #tpu.memory_space<hbm>>) target(%dma_start3A_73 : memref<125x64xf32, #tpu.memory_space<vmem>>) offsets(%dma_start3A_76 : memref<125xi32, #tpu.memory_space<vmem>>) semaphore(%arg8 : memref<!tpu.dma_semaphore, #tpu.memory_space<semaphore_mem>>)
      %dma_wait3A_80 = arith.constant 0 : i32
      %dma_wait3A_81 = arith.constant 0 : i32
      %dma_wait3A_82 = tpu.memref_slice %arg6[%dma_wait3A_80, %dma_wait3A_81] : memref<500x64xf32, #tpu.memory_space<vmem>> -> memref<125x64xf32, #tpu.memory_space<vmem>>
      %dma_wait3A_83 = arith.constant 0 : i32
      %dma_wait3A_84 = tpu.memref_slice %arg5[%add3A_32, %dma_wait3A_83] : memref<80x125xi32, #tpu.memory_space<vmem>> -> memref<1x125xi32, #tpu.memory_space<vmem>>
      %dma_wait3A_85 = tpu.memref_squeeze %dma_wait3A_84 : memref<1x125xi32, #tpu.memory_space<vmem>> -> memref<125xi32, #tpu.memory_space<vmem>>
      %dma_wait3A_86 = arith.constant 0 : i32
      %dma_wait3A_87 = arith.constant 0 : i32
      %dma_wait3A_88 = tpu.memref_slice %arg2[%dma_wait3A_86, %dma_wait3A_87] : memref<10000x64xf32, #tpu.memory_space<hbm>> -> memref<10000x64xf32, #tpu.memory_space<hbm>>
      tpu.wait_indirect_dma semaphore(%arg8 : memref<!tpu.dma_semaphore, #tpu.memory_space<semaphore_mem>>) src(%dma_wait3A_88 : memref<10000x64xf32, #tpu.memory_space<hbm>>) dst(%dma_wait3A_82 : memref<125x64xf32, #tpu.memory_space<vmem>>)
      %dma_wait3A_89 = arith.constant 125 : i32
      %dma_wait3A_90 = arith.constant 0 : i32
      %dma_wait3A_91 = tpu.memref_slice %arg6[%dma_wait3A_89, %dma_wait3A_90] : memref<500x64xf32, #tpu.memory_space<vmem>> -> memref<125x64xf32, #tpu.memory_space<vmem>>
      %dma_wait3A_92 = arith.constant 0 : i32
      %dma_wait3A_93 = tpu.memref_slice %arg5[%add3A_44, %dma_wait3A_92] : memref<80x125xi32, #tpu.memory_space<vmem>> -> memref<1x125xi32, #tpu.memory_space<vmem>>
      %dma_wait3A_94 = tpu.memref_squeeze %dma_wait3A_93 : memref<1x125xi32, #tpu.memory_space<vmem>> -> memref<125xi32, #tpu.memory_space<vmem>>
      %dma_wait3A_95 = arith.constant 0 : i32
      %dma_wait3A_96 = arith.constant 0 : i32
      %dma_wait3A_97 = tpu.memref_slice %arg2[%dma_wait3A_95, %dma_wait3A_96] : memref<10000x64xf32, #tpu.memory_space<hbm>> -> memref<10000x64xf32, #tpu.memory_space<hbm>>
      tpu.wait_indirect_dma semaphore(%arg8 : memref<!tpu.dma_semaphore, #tpu.memory_space<semaphore_mem>>) src(%dma_wait3A_97 : memref<10000x64xf32, #tpu.memory_space<hbm>>) dst(%dma_wait3A_91 : memref<125x64xf32, #tpu.memory_space<vmem>>)
      %dma_wait3A_98 = arith.constant 250 : i32
      %dma_wait3A_99 = arith.constant 0 : i32
      %dma_wait3A_100 = tpu.memref_slice %arg6[%dma_wait3A_98, %dma_wait3A_99] : memref<500x64xf32, #tpu.memory_space<vmem>> -> memref<125x64xf32, #tpu.memory_space<vmem>>
      %dma_wait3A_101 = arith.constant 0 : i32
      %dma_wait3A_102 = tpu.memref_slice %arg5[%add3A_57, %dma_wait3A_101] : memref<80x125xi32, #tpu.memory_space<vmem>> -> memref<1x125xi32, #tpu.memory_space<vmem>>
      %dma_wait3A_103 = tpu.memref_squeeze %dma_wait3A_102 : memref<1x125xi32, #tpu.memory_space<vmem>> -> memref<125xi32, #tpu.memory_space<vmem>>
      %dma_wait3A_104 = arith.constant 0 : i32
      %dma_wait3A_105 = arith.constant 0 : i32
      %dma_wait3A_106 = tpu.memref_slice %arg2[%dma_wait3A_104, %dma_wait3A_105] : memref<10000x64xf32, #tpu.memory_space<hbm>> -> memref<10000x64xf32, #tpu.memory_space<hbm>>
      tpu.wait_indirect_dma semaphore(%arg8 : memref<!tpu.dma_semaphore, #tpu.memory_space<semaphore_mem>>) src(%dma_wait3A_106 : memref<10000x64xf32, #tpu.memory_space<hbm>>) dst(%dma_wait3A_100 : memref<125x64xf32, #tpu.memory_space<vmem>>)
      %dma_wait3A_107 = arith.constant 375 : i32
      %dma_wait3A_108 = arith.constant 0 : i32
      %dma_wait3A_109 = tpu.memref_slice %arg6[%dma_wait3A_107, %dma_wait3A_108] : memref<500x64xf32, #tpu.memory_space<vmem>> -> memref<125x64xf32, #tpu.memory_space<vmem>>
      %dma_wait3A_110 = arith.constant 0 : i32
      %dma_wait3A_111 = tpu.memref_slice %arg5[%add3A_70, %dma_wait3A_110] : memref<80x125xi32, #tpu.memory_space<vmem>> -> memref<1x125xi32, #tpu.memory_space<vmem>>
      %dma_wait3A_112 = tpu.memref_squeeze %dma_wait3A_111 : memref<1x125xi32, #tpu.memory_space<vmem>> -> memref<125xi32, #tpu.memory_space<vmem>>
      %dma_wait3A_113 = arith.constant 0 : i32
      %dma_wait3A_114 = arith.constant 0 : i32
      %dma_wait3A_115 = tpu.memref_slice %arg2[%dma_wait3A_113, %dma_wait3A_114] : memref<10000x64xf32, #tpu.memory_space<hbm>> -> memref<10000x64xf32, #tpu.memory_space<hbm>>
      tpu.wait_indirect_dma semaphore(%arg8 : memref<!tpu.dma_semaphore, #tpu.memory_space<semaphore_mem>>) src(%dma_wait3A_115 : memref<10000x64xf32, #tpu.memory_space<hbm>>) dst(%dma_wait3A_109 : memref<125x64xf32, #tpu.memory_space<vmem>>)
      %mul3A_116 = arith.constant 500 : i32
      %mul3A_117 = arith.muli %add3A_26, %mul3A_116 : i32
      %add3A_118 = arith.addi %mul3A_6, %mul3A_117 : i32
      %dma_start3A_119 = arith.constant 0 : i32
      %dma_start3A_120 = tpu.memref_slice %arg4[%add3A_118, %dma_start3A_119] : memref<320000x64xf32, #tpu.memory_space<hbm>> -> memref<500x64xf32, #tpu.memory_space<hbm>>
      %dma_start3A_121 = arith.constant 0 : i32
      %dma_start3A_122 = tpu.memref_slice %arg4[%add3A_118, %dma_start3A_121] : memref<320000x64xf32, #tpu.memory_space<hbm>> -> memref<500x64xf32, #tpu.memory_space<hbm>>
      tpu.enqueue_dma source(%arg6 : memref<500x64xf32, #tpu.memory_space<vmem>>) target(%dma_start3A_122 : memref<500x64xf32, #tpu.memory_space<hbm>>) target_semaphore(%arg10 : memref<!tpu.dma_semaphore, #tpu.memory_space<semaphore_mem>>)
      %mul3A_123 = arith.constant 2 : i32
      %mul3A_124 = arith.muli %add3A_22, %mul3A_123 : i32
      %add3A_125 = arith.constant 1 : i32
      %add3A_126 = arith.addi %mul3A_124, %add3A_125 : i32
      %gt3A_127 = arith.constant 0 : i32
      %gt3A_128 = arith.cmpi sgt, %add3A_22, %gt3A_127 : i32
      %convert_element_type3A_129 = arith.extui %gt3A_128 : i1 to i32
      %cond3A_130 = arith.constant 0 : i32
      %cond3A_131 = arith.cmpi ne, %convert_element_type3A_129, %cond3A_130 : i32
      scf.if %cond3A_131 {
        %dma_wait3A_227 = arith.constant 0 : i32
        %dma_wait3A_228 = tpu.memref_slice %arg4[%mul3A_6, %dma_wait3A_227] : memref<320000x64xf32, #tpu.memory_space<hbm>> -> memref<500x64xf32, #tpu.memory_space<hbm>>
        %dma_wait3A_229 = arith.constant 0 : i32
        %dma_wait3A_230 = tpu.memref_slice %arg4[%mul3A_6, %dma_wait3A_229] : memref<320000x64xf32, #tpu.memory_space<hbm>> -> memref<500x64xf32, #tpu.memory_space<hbm>>
        tpu.wait_dma2 semaphore(%arg11 : memref<!tpu.dma_semaphore, #tpu.memory_space<semaphore_mem>>) src(%dma_wait3A_230 : memref<500x64xf32, #tpu.memory_space<hbm>>) dst(%arg7 : memref<500x64xf32, #tpu.memory_space<vmem>>)
      } else {
      }
      %mul3A_132 = arith.constant 4 : i32
      %mul3A_133 = arith.muli %add3A_126, %mul3A_132 : i32
      %add3A_134 = arith.constant 0 : i32
      %add3A_135 = arith.addi %mul3A_133, %add3A_134 : i32
      %dma_start3A_136 = arith.constant 0 : i32
      %dma_start3A_137 = arith.constant 0 : i32
      %dma_start3A_138 = tpu.memref_slice %arg7[%dma_start3A_136, %dma_start3A_137] : memref<500x64xf32, #tpu.memory_space<vmem>> -> memref<125x64xf32, #tpu.memory_space<vmem>>
      %dma_start3A_139 = arith.constant 0 : i32
      %dma_start3A_140 = tpu.memref_slice %arg5[%add3A_135, %dma_start3A_139] : memref<80x125xi32, #tpu.memory_space<vmem>> -> memref<1x125xi32, #tpu.memory_space<vmem>>
      %dma_start3A_141 = tpu.memref_squeeze %dma_start3A_140 : memref<1x125xi32, #tpu.memory_space<vmem>> -> memref<125xi32, #tpu.memory_space<vmem>>
      %dma_start3A_142 = arith.constant 0 : i32
      %dma_start3A_143 = arith.constant 0 : i32
      %dma_start3A_144 = tpu.memref_slice %arg2[%dma_start3A_142, %dma_start3A_143] : memref<10000x64xf32, #tpu.memory_space<hbm>> -> memref<10000x64xf32, #tpu.memory_space<hbm>>
      tpu.enqueue_indirect_dma source(%dma_start3A_144 : memref<10000x64xf32, #tpu.memory_space<hbm>>) target(%dma_start3A_138 : memref<125x64xf32, #tpu.memory_space<vmem>>) offsets(%dma_start3A_141 : memref<125xi32, #tpu.memory_space<vmem>>) semaphore(%arg9 : memref<!tpu.dma_semaphore, #tpu.memory_space<semaphore_mem>>)
      %mul3A_145 = arith.constant 4 : i32
      %mul3A_146 = arith.muli %add3A_126, %mul3A_145 : i32
      %add3A_147 = arith.constant 1 : i32
      %add3A_148 = arith.addi %mul3A_146, %add3A_147 : i32
      %dma_start3A_149 = arith.constant 125 : i32
      %dma_start3A_150 = arith.constant 0 : i32
      %dma_start3A_151 = tpu.memref_slice %arg7[%dma_start3A_149, %dma_start3A_150] : memref<500x64xf32, #tpu.memory_space<vmem>> -> memref<125x64xf32, #tpu.memory_space<vmem>>
      %dma_start3A_152 = arith.constant 0 : i32
      %dma_start3A_153 = tpu.memref_slice %arg5[%add3A_148, %dma_start3A_152] : memref<80x125xi32, #tpu.memory_space<vmem>> -> memref<1x125xi32, #tpu.memory_space<vmem>>
      %dma_start3A_154 = tpu.memref_squeeze %dma_start3A_153 : memref<1x125xi32, #tpu.memory_space<vmem>> -> memref<125xi32, #tpu.memory_space<vmem>>
      %dma_start3A_155 = arith.constant 0 : i32
      %dma_start3A_156 = arith.constant 0 : i32
      %dma_start3A_157 = tpu.memref_slice %arg2[%dma_start3A_155, %dma_start3A_156] : memref<10000x64xf32, #tpu.memory_space<hbm>> -> memref<10000x64xf32, #tpu.memory_space<hbm>>
      tpu.enqueue_indirect_dma source(%dma_start3A_157 : memref<10000x64xf32, #tpu.memory_space<hbm>>) target(%dma_start3A_151 : memref<125x64xf32, #tpu.memory_space<vmem>>) offsets(%dma_start3A_154 : memref<125xi32, #tpu.memory_space<vmem>>) semaphore(%arg9 : memref<!tpu.dma_semaphore, #tpu.memory_space<semaphore_mem>>)
      %mul3A_158 = arith.constant 4 : i32
      %mul3A_159 = arith.muli %add3A_126, %mul3A_158 : i32
      %add3A_160 = arith.constant 2 : i32
      %add3A_161 = arith.addi %mul3A_159, %add3A_160 : i32
      %dma_start3A_162 = arith.constant 250 : i32
      %dma_start3A_163 = arith.constant 0 : i32
      %dma_start3A_164 = tpu.memref_slice %arg7[%dma_start3A_162, %dma_start3A_163] : memref<500x64xf32, #tpu.memory_space<vmem>> -> memref<125x64xf32, #tpu.memory_space<vmem>>
      %dma_start3A_165 = arith.constant 0 : i32
      %dma_start3A_166 = tpu.memref_slice %arg5[%add3A_161, %dma_start3A_165] : memref<80x125xi32, #tpu.memory_space<vmem>> -> memref<1x125xi32, #tpu.memory_space<vmem>>
      %dma_start3A_167 = tpu.memref_squeeze %dma_start3A_166 : memref<1x125xi32, #tpu.memory_space<vmem>> -> memref<125xi32, #tpu.memory_space<vmem>>
      %dma_start3A_168 = arith.constant 0 : i32
      %dma_start3A_169 = arith.constant 0 : i32
      %dma_start3A_170 = tpu.memref_slice %arg2[%dma_start3A_168, %dma_start3A_169] : memref<10000x64xf32, #tpu.memory_space<hbm>> -> memref<10000x64xf32, #tpu.memory_space<hbm>>
      tpu.enqueue_indirect_dma source(%dma_start3A_170 : memref<10000x64xf32, #tpu.memory_space<hbm>>) target(%dma_start3A_164 : memref<125x64xf32, #tpu.memory_space<vmem>>) offsets(%dma_start3A_167 : memref<125xi32, #tpu.memory_space<vmem>>) semaphore(%arg9 : memref<!tpu.dma_semaphore, #tpu.memory_space<semaphore_mem>>)
      %mul3A_171 = arith.constant 4 : i32
      %mul3A_172 = arith.muli %add3A_126, %mul3A_171 : i32
      %add3A_173 = arith.constant 3 : i32
      %add3A_174 = arith.addi %mul3A_172, %add3A_173 : i32
      %dma_start3A_175 = arith.constant 375 : i32
      %dma_start3A_176 = arith.constant 0 : i32
      %dma_start3A_177 = tpu.memref_slice %arg7[%dma_start3A_175, %dma_start3A_176] : memref<500x64xf32, #tpu.memory_space<vmem>> -> memref<125x64xf32, #tpu.memory_space<vmem>>
      %dma_start3A_178 = arith.constant 0 : i32
      %dma_start3A_179 = tpu.memref_slice %arg5[%add3A_174, %dma_start3A_178] : memref<80x125xi32, #tpu.memory_space<vmem>> -> memref<1x125xi32, #tpu.memory_space<vmem>>
      %dma_start3A_180 = tpu.memref_squeeze %dma_start3A_179 : memref<1x125xi32, #tpu.memory_space<vmem>> -> memref<125xi32, #tpu.memory_space<vmem>>
      %dma_start3A_181 = arith.constant 0 : i32
      %dma_start3A_182 = arith.constant 0 : i32
      %dma_start3A_183 = tpu.memref_slice %arg2[%dma_start3A_181, %dma_start3A_182] : memref<10000x64xf32, #tpu.memory_space<hbm>> -> memref<10000x64xf32, #tpu.memory_space<hbm>>
      tpu.enqueue_indirect_dma source(%dma_start3A_183 : memref<10000x64xf32, #tpu.memory_space<hbm>>) target(%dma_start3A_177 : memref<125x64xf32, #tpu.memory_space<vmem>>) offsets(%dma_start3A_180 : memref<125xi32, #tpu.memory_space<vmem>>) semaphore(%arg9 : memref<!tpu.dma_semaphore, #tpu.memory_space<semaphore_mem>>)
      %dma_wait3A_184 = arith.constant 0 : i32
      %dma_wait3A_185 = arith.constant 0 : i32
      %dma_wait3A_186 = tpu.memref_slice %arg7[%dma_wait3A_184, %dma_wait3A_185] : memref<500x64xf32, #tpu.memory_space<vmem>> -> memref<125x64xf32, #tpu.memory_space<vmem>>
      %dma_wait3A_187 = arith.constant 0 : i32
      %dma_wait3A_188 = tpu.memref_slice %arg5[%add3A_135, %dma_wait3A_187] : memref<80x125xi32, #tpu.memory_space<vmem>> -> memref<1x125xi32, #tpu.memory_space<vmem>>
      %dma_wait3A_189 = tpu.memref_squeeze %dma_wait3A_188 : memref<1x125xi32, #tpu.memory_space<vmem>> -> memref<125xi32, #tpu.memory_space<vmem>>
      %dma_wait3A_190 = arith.constant 0 : i32
      %dma_wait3A_191 = arith.constant 0 : i32
      %dma_wait3A_192 = tpu.memref_slice %arg2[%dma_wait3A_190, %dma_wait3A_191] : memref<10000x64xf32, #tpu.memory_space<hbm>> -> memref<10000x64xf32, #tpu.memory_space<hbm>>
      tpu.wait_indirect_dma semaphore(%arg9 : memref<!tpu.dma_semaphore, #tpu.memory_space<semaphore_mem>>) src(%dma_wait3A_192 : memref<10000x64xf32, #tpu.memory_space<hbm>>) dst(%dma_wait3A_186 : memref<125x64xf32, #tpu.memory_space<vmem>>)
      %dma_wait3A_193 = arith.constant 125 : i32
      %dma_wait3A_194 = arith.constant 0 : i32
      %dma_wait3A_195 = tpu.memref_slice %arg7[%dma_wait3A_193, %dma_wait3A_194] : memref<500x64xf32, #tpu.memory_space<vmem>> -> memref<125x64xf32, #tpu.memory_space<vmem>>
      %dma_wait3A_196 = arith.constant 0 : i32
      %dma_wait3A_197 = tpu.memref_slice %arg5[%add3A_148, %dma_wait3A_196] : memref<80x125xi32, #tpu.memory_space<vmem>> -> memref<1x125xi32, #tpu.memory_space<vmem>>
      %dma_wait3A_198 = tpu.memref_squeeze %dma_wait3A_197 : memref<1x125xi32, #tpu.memory_space<vmem>> -> memref<125xi32, #tpu.memory_space<vmem>>
      %dma_wait3A_199 = arith.constant 0 : i32
      %dma_wait3A_200 = arith.constant 0 : i32
      %dma_wait3A_201 = tpu.memref_slice %arg2[%dma_wait3A_199, %dma_wait3A_200] : memref<10000x64xf32, #tpu.memory_space<hbm>> -> memref<10000x64xf32, #tpu.memory_space<hbm>>
      tpu.wait_indirect_dma semaphore(%arg9 : memref<!tpu.dma_semaphore, #tpu.memory_space<semaphore_mem>>) src(%dma_wait3A_201 : memref<10000x64xf32, #tpu.memory_space<hbm>>) dst(%dma_wait3A_195 : memref<125x64xf32, #tpu.memory_space<vmem>>)
      %dma_wait3A_202 = arith.constant 250 : i32
      %dma_wait3A_203 = arith.constant 0 : i32
      %dma_wait3A_204 = tpu.memref_slice %arg7[%dma_wait3A_202, %dma_wait3A_203] : memref<500x64xf32, #tpu.memory_space<vmem>> -> memref<125x64xf32, #tpu.memory_space<vmem>>
      %dma_wait3A_205 = arith.constant 0 : i32
      %dma_wait3A_206 = tpu.memref_slice %arg5[%add3A_161, %dma_wait3A_205] : memref<80x125xi32, #tpu.memory_space<vmem>> -> memref<1x125xi32, #tpu.memory_space<vmem>>
      %dma_wait3A_207 = tpu.memref_squeeze %dma_wait3A_206 : memref<1x125xi32, #tpu.memory_space<vmem>> -> memref<125xi32, #tpu.memory_space<vmem>>
      %dma_wait3A_208 = arith.constant 0 : i32
      %dma_wait3A_209 = arith.constant 0 : i32
      %dma_wait3A_210 = tpu.memref_slice %arg2[%dma_wait3A_208, %dma_wait3A_209] : memref<10000x64xf32, #tpu.memory_space<hbm>> -> memref<10000x64xf32, #tpu.memory_space<hbm>>
      tpu.wait_indirect_dma semaphore(%arg9 : memref<!tpu.dma_semaphore, #tpu.memory_space<semaphore_mem>>) src(%dma_wait3A_210 : memref<10000x64xf32, #tpu.memory_space<hbm>>) dst(%dma_wait3A_204 : memref<125x64xf32, #tpu.memory_space<vmem>>)
      %dma_wait3A_211 = arith.constant 375 : i32
      %dma_wait3A_212 = arith.constant 0 : i32
      %dma_wait3A_213 = tpu.memref_slice %arg7[%dma_wait3A_211, %dma_wait3A_212] : memref<500x64xf32, #tpu.memory_space<vmem>> -> memref<125x64xf32, #tpu.memory_space<vmem>>
      %dma_wait3A_214 = arith.constant 0 : i32
      %dma_wait3A_215 = tpu.memref_slice %arg5[%add3A_174, %dma_wait3A_214] : memref<80x125xi32, #tpu.memory_space<vmem>> -> memref<1x125xi32, #tpu.memory_space<vmem>>
      %dma_wait3A_216 = tpu.memref_squeeze %dma_wait3A_215 : memref<1x125xi32, #tpu.memory_space<vmem>> -> memref<125xi32, #tpu.memory_space<vmem>>
      %dma_wait3A_217 = arith.constant 0 : i32
      %dma_wait3A_218 = arith.constant 0 : i32
      %dma_wait3A_219 = tpu.memref_slice %arg2[%dma_wait3A_217, %dma_wait3A_218] : memref<10000x64xf32, #tpu.memory_space<hbm>> -> memref<10000x64xf32, #tpu.memory_space<hbm>>
      tpu.wait_indirect_dma semaphore(%arg9 : memref<!tpu.dma_semaphore, #tpu.memory_space<semaphore_mem>>) src(%dma_wait3A_219 : memref<10000x64xf32, #tpu.memory_space<hbm>>) dst(%dma_wait3A_213 : memref<125x64xf32, #tpu.memory_space<vmem>>)
      %mul3A_220 = arith.constant 500 : i32
      %mul3A_221 = arith.muli %add3A_126, %mul3A_220 : i32
      %add3A_222 = arith.addi %mul3A_6, %mul3A_221 : i32
      %dma_start3A_223 = arith.constant 0 : i32
      %dma_start3A_224 = tpu.memref_slice %arg4[%add3A_222, %dma_start3A_223] : memref<320000x64xf32, #tpu.memory_space<hbm>> -> memref<500x64xf32, #tpu.memory_space<hbm>>
      %dma_start3A_225 = arith.constant 0 : i32
      %dma_start3A_226 = tpu.memref_slice %arg4[%add3A_222, %dma_start3A_225] : memref<320000x64xf32, #tpu.memory_space<hbm>> -> memref<500x64xf32, #tpu.memory_space<hbm>>
      tpu.enqueue_dma source(%arg7 : memref<500x64xf32, #tpu.memory_space<vmem>>) target(%dma_start3A_226 : memref<500x64xf32, #tpu.memory_space<hbm>>) target_semaphore(%arg11 : memref<!tpu.dma_semaphore, #tpu.memory_space<semaphore_mem>>)
    }
    %scan3A_10 = arith.constant 10 : i32
    %dma_wait3A = arith.constant 0 : i32
    %dma_wait3A_11 = tpu.memref_slice %arg4[%mul3A_6, %dma_wait3A] : memref<320000x64xf32, #tpu.memory_space<hbm>> -> memref<500x64xf32, #tpu.memory_space<hbm>>
    %dma_wait3A_12 = arith.constant 0 : i32
    %dma_wait3A_13 = tpu.memref_slice %arg4[%mul3A_6, %dma_wait3A_12] : memref<320000x64xf32, #tpu.memory_space<hbm>> -> memref<500x64xf32, #tpu.memory_space<hbm>>
    tpu.wait_dma2 semaphore(%arg10 : memref<!tpu.dma_semaphore, #tpu.memory_space<semaphore_mem>>) src(%dma_wait3A_13 : memref<500x64xf32, #tpu.memory_space<hbm>>) dst(%arg6 : memref<500x64xf32, #tpu.memory_space<vmem>>)
    %dma_wait3A_14 = arith.constant 0 : i32
    %dma_wait3A_15 = tpu.memref_slice %arg4[%mul3A_6, %dma_wait3A_14] : memref<320000x64xf32, #tpu.memory_space<hbm>> -> memref<500x64xf32, #tpu.memory_space<hbm>>
    %dma_wait3A_16 = arith.constant 0 : i32
    %dma_wait3A_17 = tpu.memref_slice %arg4[%mul3A_6, %dma_wait3A_16] : memref<320000x64xf32, #tpu.memory_space<hbm>> -> memref<500x64xf32, #tpu.memory_space<hbm>>
    tpu.wait_dma2 semaphore(%arg11 : memref<!tpu.dma_semaphore, #tpu.memory_space<semaphore_mem>>) src(%dma_wait3A_17 : memref<500x64xf32, #tpu.memory_space<hbm>>) dst(%arg7 : memref<500x64xf32, #tpu.memory_space<vmem>>)
    return
  }
}

#map = affine_map<(d0, d1) -> (0, 0)>
module attributes {stable_mosaic.version = 14 : i64} {
  func.func @_scatter_body(%arg0: i32, %arg1: i32, %arg2: memref<320000x64xf32, #tpu.memory_space<hbm>>, %arg3: memref<2560x125xi32, #tpu.memory_space<hbm>>, %arg4: memref<625x64xf32, #tpu.memory_space<hbm>>, %arg5: memref<20000x64xf32, #tpu.memory_space<hbm>>, %arg6: memref<80x125xi32, #tpu.memory_space<vmem>>, %arg7: memref<500x64xf32, #tpu.memory_space<vmem>>, %arg8: memref<500x64xf32, #tpu.memory_space<vmem>>, %arg9: memref<!tpu.dma_semaphore, #tpu.memory_space<semaphore_mem>>, %arg10: memref<!tpu.dma_semaphore, #tpu.memory_space<semaphore_mem>>, %arg11: memref<10000x64xf32, #tpu.memory_space<vmem_shared>>) attributes {dimension_semantics = [#tpu.dimension_semantics<core_parallel>, #tpu.dimension_semantics<subcore_parallel>], iteration_bounds = array<i64: 2, 16>, scalar_prefetch = 0 : i64, scratch_operands = 6 : i64, tpu.core_type = #tpu.core_type<sc_vector_subcore>, window_params = [{transform_indices = #map}, {transform_indices = #map}, {transform_indices = #map}, {transform_indices = #map}]} {
    %mul3A = arith.constant 2 : i32
    %mul3A_0 = arith.muli %arg1, %mul3A : i32
    %add3A = arith.addi %mul3A_0, %arg0 : i32
    %mul3A_1 = arith.constant 80 : i32
    %mul3A_2 = arith.muli %add3A, %mul3A_1 : i32
    %mul3A_3 = arith.constant 80 : i32
    %mul3A_4 = arith.muli %add3A, %mul3A_3 : i32
    %mul3A_5 = arith.constant 125 : i32
    %mul3A_6 = arith.muli %mul3A_4, %mul3A_5 : i32
    %mul3A_7 = arith.constant 625 : i32
    %mul3A_8 = arith.muli %arg1, %mul3A_7 : i32
    "tpu.region"() ({
      %run_scoped3A = tpu.sem_alloc : memref<!tpu.dma_semaphore, #tpu.memory_space<semaphore_mem>>
      %dma_start3A = arith.constant 0 : i32
      %dma_start3A_17 = tpu.memref_slice %arg11[%mul3A_8, %dma_start3A] : memref<10000x64xf32, #tpu.memory_space<vmem_shared>> -> memref<625x64xf32, #tpu.memory_space<vmem_shared>>
      tpu.enqueue_dma source(%arg4 : memref<625x64xf32, #tpu.memory_space<hbm>>) target(%dma_start3A_17 : memref<625x64xf32, #tpu.memory_space<vmem_shared>>) target_semaphore(%run_scoped3A : memref<!tpu.dma_semaphore, #tpu.memory_space<semaphore_mem>>)
      %dma_wait3A = arith.constant 0 : i32
      %dma_wait3A_18 = tpu.memref_slice %arg11[%mul3A_8, %dma_wait3A] : memref<10000x64xf32, #tpu.memory_space<vmem_shared>> -> memref<625x64xf32, #tpu.memory_space<vmem_shared>>
      tpu.wait_dma2 semaphore(%run_scoped3A : memref<!tpu.dma_semaphore, #tpu.memory_space<semaphore_mem>>) src(%arg4 : memref<625x64xf32, #tpu.memory_space<hbm>>) dst(%dma_wait3A_18 : memref<625x64xf32, #tpu.memory_space<vmem_shared>>)
      tpu.yield
    }) : () -> ()
    "tpu.region"() ({
      %run_scoped3A = tpu.sem_alloc : memref<!tpu.dma_semaphore, #tpu.memory_space<semaphore_mem>>
      %dma_start3A = arith.constant 0 : i32
      %dma_start3A_17 = tpu.memref_slice %arg3[%mul3A_2, %dma_start3A] : memref<2560x125xi32, #tpu.memory_space<hbm>> -> memref<80x125xi32, #tpu.memory_space<hbm>>
      %dma_start3A_18 = arith.constant 0 : i32
      %dma_start3A_19 = tpu.memref_slice %arg3[%mul3A_2, %dma_start3A_18] : memref<2560x125xi32, #tpu.memory_space<hbm>> -> memref<80x125xi32, #tpu.memory_space<hbm>>
      tpu.enqueue_dma source(%dma_start3A_19 : memref<80x125xi32, #tpu.memory_space<hbm>>) target(%arg6 : memref<80x125xi32, #tpu.memory_space<vmem>>) target_semaphore(%run_scoped3A : memref<!tpu.dma_semaphore, #tpu.memory_space<semaphore_mem>>)
      %dma_wait3A = arith.constant 0 : i32
      %dma_wait3A_20 = tpu.memref_slice %arg3[%mul3A_2, %dma_wait3A] : memref<2560x125xi32, #tpu.memory_space<hbm>> -> memref<80x125xi32, #tpu.memory_space<hbm>>
      %dma_wait3A_21 = arith.constant 0 : i32
      %dma_wait3A_22 = tpu.memref_slice %arg3[%mul3A_2, %dma_wait3A_21] : memref<2560x125xi32, #tpu.memory_space<hbm>> -> memref<80x125xi32, #tpu.memory_space<hbm>>
      tpu.wait_dma2 semaphore(%run_scoped3A : memref<!tpu.dma_semaphore, #tpu.memory_space<semaphore_mem>>) src(%dma_wait3A_22 : memref<80x125xi32, #tpu.memory_space<hbm>>) dst(%arg6 : memref<80x125xi32, #tpu.memory_space<vmem>>)
      tpu.yield
    }) : () -> ()
    %barrier3A = arith.constant 0 : index
    tpu.barrier barrier_id(%barrier3A)
    %scan3A = arith.constant 0 : i32
    %scan3A_9 = arith.constant 10 : i32
    %scan3A_10 = arith.addi %scan3A, %scan3A_9 : i32
    %scan3A_11 = arith.constant 1 : i32
    scf.for %scan3A_17 = %scan3A to %scan3A_10 step %scan3A_11  : i32 {
      %mul3A_18 = arith.constant 1 : i32
      %mul3A_19 = arith.muli %scan3A_17, %mul3A_18 : i32
      %add3A_20 = arith.constant 0 : i32
      %add3A_21 = arith.addi %add3A_20, %mul3A_19 : i32
      %mul3A_22 = arith.constant 2 : i32
      %mul3A_23 = arith.muli %add3A_21, %mul3A_22 : i32
      %add3A_24 = arith.constant 0 : i32
      %add3A_25 = arith.addi %mul3A_23, %add3A_24 : i32
      %mul3A_26 = arith.constant 500 : i32
      %mul3A_27 = arith.muli %add3A_25, %mul3A_26 : i32
      %add3A_28 = arith.addi %mul3A_6, %mul3A_27 : i32
      %dma_start3A = arith.constant 0 : i32
      %dma_start3A_29 = tpu.memref_slice %arg2[%add3A_28, %dma_start3A] : memref<320000x64xf32, #tpu.memory_space<hbm>> -> memref<500x64xf32, #tpu.memory_space<hbm>>
      %dma_start3A_30 = arith.constant 0 : i32
      %dma_start3A_31 = tpu.memref_slice %arg2[%add3A_28, %dma_start3A_30] : memref<320000x64xf32, #tpu.memory_space<hbm>> -> memref<500x64xf32, #tpu.memory_space<hbm>>
      tpu.enqueue_dma source(%dma_start3A_31 : memref<500x64xf32, #tpu.memory_space<hbm>>) target(%arg7 : memref<500x64xf32, #tpu.memory_space<vmem>>) target_semaphore(%arg9 : memref<!tpu.dma_semaphore, #tpu.memory_space<semaphore_mem>>)
      %mul3A_32 = arith.constant 2 : i32
      %mul3A_33 = arith.muli %add3A_21, %mul3A_32 : i32
      %add3A_34 = arith.constant 1 : i32
      %add3A_35 = arith.addi %mul3A_33, %add3A_34 : i32
      %mul3A_36 = arith.constant 500 : i32
      %mul3A_37 = arith.muli %add3A_35, %mul3A_36 : i32
      %add3A_38 = arith.addi %mul3A_6, %mul3A_37 : i32
      %dma_start3A_39 = arith.constant 0 : i32
      %dma_start3A_40 = tpu.memref_slice %arg2[%add3A_38, %dma_start3A_39] : memref<320000x64xf32, #tpu.memory_space<hbm>> -> memref<500x64xf32, #tpu.memory_space<hbm>>
      %dma_start3A_41 = arith.constant 0 : i32
      %dma_start3A_42 = tpu.memref_slice %arg2[%add3A_38, %dma_start3A_41] : memref<320000x64xf32, #tpu.memory_space<hbm>> -> memref<500x64xf32, #tpu.memory_space<hbm>>
      tpu.enqueue_dma source(%dma_start3A_42 : memref<500x64xf32, #tpu.memory_space<hbm>>) target(%arg8 : memref<500x64xf32, #tpu.memory_space<vmem>>) target_semaphore(%arg10 : memref<!tpu.dma_semaphore, #tpu.memory_space<semaphore_mem>>)
      %mul3A_43 = arith.constant 2 : i32
      %mul3A_44 = arith.muli %add3A_21, %mul3A_43 : i32
      %add3A_45 = arith.constant 0 : i32
      %add3A_46 = arith.addi %mul3A_44, %add3A_45 : i32
      %dma_wait3A = arith.constant 0 : i32
      %dma_wait3A_47 = tpu.memref_slice %arg2[%add3A_28, %dma_wait3A] : memref<320000x64xf32, #tpu.memory_space<hbm>> -> memref<500x64xf32, #tpu.memory_space<hbm>>
      %dma_wait3A_48 = arith.constant 0 : i32
      %dma_wait3A_49 = tpu.memref_slice %arg2[%add3A_28, %dma_wait3A_48] : memref<320000x64xf32, #tpu.memory_space<hbm>> -> memref<500x64xf32, #tpu.memory_space<hbm>>
      tpu.wait_dma2 semaphore(%arg9 : memref<!tpu.dma_semaphore, #tpu.memory_space<semaphore_mem>>) src(%dma_wait3A_49 : memref<500x64xf32, #tpu.memory_space<hbm>>) dst(%arg7 : memref<500x64xf32, #tpu.memory_space<vmem>>)
      %mul3A_50 = arith.constant 4 : i32
      %mul3A_51 = arith.muli %add3A_46, %mul3A_50 : i32
      %add3A_52 = arith.constant 0 : i32
      %add3A_53 = arith.addi %mul3A_51, %add3A_52 : i32
      "tpu.region"() ({
        %run_scoped3A = tpu.sem_alloc : memref<!tpu.dma_semaphore, #tpu.memory_space<semaphore_mem>>
        %dma_start3A_90 = arith.constant 0 : i32
        %dma_start3A_91 = arith.constant 0 : i32
        %dma_start3A_92 = tpu.memref_slice %arg7[%dma_start3A_90, %dma_start3A_91] : memref<500x64xf32, #tpu.memory_space<vmem>> -> memref<125x64xf32, #tpu.memory_space<vmem>>
        %dma_start3A_93 = arith.constant 0 : i32
        %dma_start3A_94 = tpu.memref_slice %arg6[%add3A_53, %dma_start3A_93] : memref<80x125xi32, #tpu.memory_space<vmem>> -> memref<1x125xi32, #tpu.memory_space<vmem>>
        %dma_start3A_95 = tpu.memref_squeeze %dma_start3A_94 : memref<1x125xi32, #tpu.memory_space<vmem>> -> memref<125xi32, #tpu.memory_space<vmem>>
        %dma_start3A_96 = arith.constant 0 : i32
        %dma_start3A_97 = arith.constant 0 : i32
        %dma_start3A_98 = tpu.memref_slice %arg11[%dma_start3A_96, %dma_start3A_97] : memref<10000x64xf32, #tpu.memory_space<vmem_shared>> -> memref<10000x64xf32, #tpu.memory_space<vmem_shared>>
        tpu.enqueue_indirect_dma source(%dma_start3A_92 : memref<125x64xf32, #tpu.memory_space<vmem>>) target(%dma_start3A_98 : memref<10000x64xf32, #tpu.memory_space<vmem_shared>>) offsets(%dma_start3A_95 : memref<125xi32, #tpu.memory_space<vmem>>) semaphore(%run_scoped3A : memref<!tpu.dma_semaphore, #tpu.memory_space<semaphore_mem>>) {add = true}
        %dma_wait3A_99 = arith.constant 0 : i32
        %dma_wait3A_100 = arith.constant 0 : i32
        %dma_wait3A_101 = tpu.memref_slice %arg7[%dma_wait3A_99, %dma_wait3A_100] : memref<500x64xf32, #tpu.memory_space<vmem>> -> memref<125x64xf32, #tpu.memory_space<vmem>>
        %dma_wait3A_102 = arith.constant 0 : i32
        %dma_wait3A_103 = tpu.memref_slice %arg6[%add3A_53, %dma_wait3A_102] : memref<80x125xi32, #tpu.memory_space<vmem>> -> memref<1x125xi32, #tpu.memory_space<vmem>>
        %dma_wait3A_104 = tpu.memref_squeeze %dma_wait3A_103 : memref<1x125xi32, #tpu.memory_space<vmem>> -> memref<125xi32, #tpu.memory_space<vmem>>
        %dma_wait3A_105 = arith.constant 0 : i32
        %dma_wait3A_106 = arith.constant 0 : i32
        %dma_wait3A_107 = tpu.memref_slice %arg11[%dma_wait3A_105, %dma_wait3A_106] : memref<10000x64xf32, #tpu.memory_space<vmem_shared>> -> memref<10000x64xf32, #tpu.memory_space<vmem_shared>>
        tpu.wait_indirect_dma semaphore(%run_scoped3A : memref<!tpu.dma_semaphore, #tpu.memory_space<semaphore_mem>>) src(%dma_wait3A_101 : memref<125x64xf32, #tpu.memory_space<vmem>>) dst(%dma_wait3A_107 : memref<10000x64xf32, #tpu.memory_space<vmem_shared>>)
        tpu.yield
      }) : () -> ()
      %mul3A_54 = arith.constant 4 : i32
      %mul3A_55 = arith.muli %add3A_46, %mul3A_54 : i32
      %add3A_56 = arith.constant 1 : i32
      %add3A_57 = arith.addi %mul3A_55, %add3A_56 : i32
      "tpu.region"() ({
        %run_scoped3A = tpu.sem_alloc : memref<!tpu.dma_semaphore, #tpu.memory_space<semaphore_mem>>
        %dma_start3A_90 = arith.constant 125 : i32
        %dma_start3A_91 = arith.constant 0 : i32
        %dma_start3A_92 = tpu.memref_slice %arg7[%dma_start3A_90, %dma_start3A_91] : memref<500x64xf32, #tpu.memory_space<vmem>> -> memref<125x64xf32, #tpu.memory_space<vmem>>
        %dma_start3A_93 = arith.constant 0 : i32
        %dma_start3A_94 = tpu.memref_slice %arg6[%add3A_57, %dma_start3A_93] : memref<80x125xi32, #tpu.memory_space<vmem>> -> memref<1x125xi32, #tpu.memory_space<vmem>>
        %dma_start3A_95 = tpu.memref_squeeze %dma_start3A_94 : memref<1x125xi32, #tpu.memory_space<vmem>> -> memref<125xi32, #tpu.memory_space<vmem>>
        %dma_start3A_96 = arith.constant 0 : i32
        %dma_start3A_97 = arith.constant 0 : i32
        %dma_start3A_98 = tpu.memref_slice %arg11[%dma_start3A_96, %dma_start3A_97] : memref<10000x64xf32, #tpu.memory_space<vmem_shared>> -> memref<10000x64xf32, #tpu.memory_space<vmem_shared>>
        tpu.enqueue_indirect_dma source(%dma_start3A_92 : memref<125x64xf32, #tpu.memory_space<vmem>>) target(%dma_start3A_98 : memref<10000x64xf32, #tpu.memory_space<vmem_shared>>) offsets(%dma_start3A_95 : memref<125xi32, #tpu.memory_space<vmem>>) semaphore(%run_scoped3A : memref<!tpu.dma_semaphore, #tpu.memory_space<semaphore_mem>>) {add = true}
        %dma_wait3A_99 = arith.constant 125 : i32
        %dma_wait3A_100 = arith.constant 0 : i32
        %dma_wait3A_101 = tpu.memref_slice %arg7[%dma_wait3A_99, %dma_wait3A_100] : memref<500x64xf32, #tpu.memory_space<vmem>> -> memref<125x64xf32, #tpu.memory_space<vmem>>
        %dma_wait3A_102 = arith.constant 0 : i32
        %dma_wait3A_103 = tpu.memref_slice %arg6[%add3A_57, %dma_wait3A_102] : memref<80x125xi32, #tpu.memory_space<vmem>> -> memref<1x125xi32, #tpu.memory_space<vmem>>
        %dma_wait3A_104 = tpu.memref_squeeze %dma_wait3A_103 : memref<1x125xi32, #tpu.memory_space<vmem>> -> memref<125xi32, #tpu.memory_space<vmem>>
        %dma_wait3A_105 = arith.constant 0 : i32
        %dma_wait3A_106 = arith.constant 0 : i32
        %dma_wait3A_107 = tpu.memref_slice %arg11[%dma_wait3A_105, %dma_wait3A_106] : memref<10000x64xf32, #tpu.memory_space<vmem_shared>> -> memref<10000x64xf32, #tpu.memory_space<vmem_shared>>
        tpu.wait_indirect_dma semaphore(%run_scoped3A : memref<!tpu.dma_semaphore, #tpu.memory_space<semaphore_mem>>) src(%dma_wait3A_101 : memref<125x64xf32, #tpu.memory_space<vmem>>) dst(%dma_wait3A_107 : memref<10000x64xf32, #tpu.memory_space<vmem_shared>>)
        tpu.yield
      }) : () -> ()
      %mul3A_58 = arith.constant 4 : i32
      %mul3A_59 = arith.muli %add3A_46, %mul3A_58 : i32
      %add3A_60 = arith.constant 2 : i32
      %add3A_61 = arith.addi %mul3A_59, %add3A_60 : i32
      "tpu.region"() ({
        %run_scoped3A = tpu.sem_alloc : memref<!tpu.dma_semaphore, #tpu.memory_space<semaphore_mem>>
        %dma_start3A_90 = arith.constant 250 : i32
        %dma_start3A_91 = arith.constant 0 : i32
        %dma_start3A_92 = tpu.memref_slice %arg7[%dma_start3A_90, %dma_start3A_91] : memref<500x64xf32, #tpu.memory_space<vmem>> -> memref<125x64xf32, #tpu.memory_space<vmem>>
        %dma_start3A_93 = arith.constant 0 : i32
        %dma_start3A_94 = tpu.memref_slice %arg6[%add3A_61, %dma_start3A_93] : memref<80x125xi32, #tpu.memory_space<vmem>> -> memref<1x125xi32, #tpu.memory_space<vmem>>
        %dma_start3A_95 = tpu.memref_squeeze %dma_start3A_94 : memref<1x125xi32, #tpu.memory_space<vmem>> -> memref<125xi32, #tpu.memory_space<vmem>>
        %dma_start3A_96 = arith.constant 0 : i32
        %dma_start3A_97 = arith.constant 0 : i32
        %dma_start3A_98 = tpu.memref_slice %arg11[%dma_start3A_96, %dma_start3A_97] : memref<10000x64xf32, #tpu.memory_space<vmem_shared>> -> memref<10000x64xf32, #tpu.memory_space<vmem_shared>>
        tpu.enqueue_indirect_dma source(%dma_start3A_92 : memref<125x64xf32, #tpu.memory_space<vmem>>) target(%dma_start3A_98 : memref<10000x64xf32, #tpu.memory_space<vmem_shared>>) offsets(%dma_start3A_95 : memref<125xi32, #tpu.memory_space<vmem>>) semaphore(%run_scoped3A : memref<!tpu.dma_semaphore, #tpu.memory_space<semaphore_mem>>) {add = true}
        %dma_wait3A_99 = arith.constant 250 : i32
        %dma_wait3A_100 = arith.constant 0 : i32
        %dma_wait3A_101 = tpu.memref_slice %arg7[%dma_wait3A_99, %dma_wait3A_100] : memref<500x64xf32, #tpu.memory_space<vmem>> -> memref<125x64xf32, #tpu.memory_space<vmem>>
        %dma_wait3A_102 = arith.constant 0 : i32
        %dma_wait3A_103 = tpu.memref_slice %arg6[%add3A_61, %dma_wait3A_102] : memref<80x125xi32, #tpu.memory_space<vmem>> -> memref<1x125xi32, #tpu.memory_space<vmem>>
        %dma_wait3A_104 = tpu.memref_squeeze %dma_wait3A_103 : memref<1x125xi32, #tpu.memory_space<vmem>> -> memref<125xi32, #tpu.memory_space<vmem>>
        %dma_wait3A_105 = arith.constant 0 : i32
        %dma_wait3A_106 = arith.constant 0 : i32
        %dma_wait3A_107 = tpu.memref_slice %arg11[%dma_wait3A_105, %dma_wait3A_106] : memref<10000x64xf32, #tpu.memory_space<vmem_shared>> -> memref<10000x64xf32, #tpu.memory_space<vmem_shared>>
        tpu.wait_indirect_dma semaphore(%run_scoped3A : memref<!tpu.dma_semaphore, #tpu.memory_space<semaphore_mem>>) src(%dma_wait3A_101 : memref<125x64xf32, #tpu.memory_space<vmem>>) dst(%dma_wait3A_107 : memref<10000x64xf32, #tpu.memory_space<vmem_shared>>)
        tpu.yield
      }) : () -> ()
      %mul3A_62 = arith.constant 4 : i32
      %mul3A_63 = arith.muli %add3A_46, %mul3A_62 : i32
      %add3A_64 = arith.constant 3 : i32
      %add3A_65 = arith.addi %mul3A_63, %add3A_64 : i32
      "tpu.region"() ({
        %run_scoped3A = tpu.sem_alloc : memref<!tpu.dma_semaphore, #tpu.memory_space<semaphore_mem>>
        %dma_start3A_90 = arith.constant 375 : i32
        %dma_start3A_91 = arith.constant 0 : i32
        %dma_start3A_92 = tpu.memref_slice %arg7[%dma_start3A_90, %dma_start3A_91] : memref<500x64xf32, #tpu.memory_space<vmem>> -> memref<125x64xf32, #tpu.memory_space<vmem>>
        %dma_start3A_93 = arith.constant 0 : i32
        %dma_start3A_94 = tpu.memref_slice %arg6[%add3A_65, %dma_start3A_93] : memref<80x125xi32, #tpu.memory_space<vmem>> -> memref<1x125xi32, #tpu.memory_space<vmem>>
        %dma_start3A_95 = tpu.memref_squeeze %dma_start3A_94 : memref<1x125xi32, #tpu.memory_space<vmem>> -> memref<125xi32, #tpu.memory_space<vmem>>
        %dma_start3A_96 = arith.constant 0 : i32
        %dma_start3A_97 = arith.constant 0 : i32
        %dma_start3A_98 = tpu.memref_slice %arg11[%dma_start3A_96, %dma_start3A_97] : memref<10000x64xf32, #tpu.memory_space<vmem_shared>> -> memref<10000x64xf32, #tpu.memory_space<vmem_shared>>
        tpu.enqueue_indirect_dma source(%dma_start3A_92 : memref<125x64xf32, #tpu.memory_space<vmem>>) target(%dma_start3A_98 : memref<10000x64xf32, #tpu.memory_space<vmem_shared>>) offsets(%dma_start3A_95 : memref<125xi32, #tpu.memory_space<vmem>>) semaphore(%run_scoped3A : memref<!tpu.dma_semaphore, #tpu.memory_space<semaphore_mem>>) {add = true}
        %dma_wait3A_99 = arith.constant 375 : i32
        %dma_wait3A_100 = arith.constant 0 : i32
        %dma_wait3A_101 = tpu.memref_slice %arg7[%dma_wait3A_99, %dma_wait3A_100] : memref<500x64xf32, #tpu.memory_space<vmem>> -> memref<125x64xf32, #tpu.memory_space<vmem>>
        %dma_wait3A_102 = arith.constant 0 : i32
        %dma_wait3A_103 = tpu.memref_slice %arg6[%add3A_65, %dma_wait3A_102] : memref<80x125xi32, #tpu.memory_space<vmem>> -> memref<1x125xi32, #tpu.memory_space<vmem>>
        %dma_wait3A_104 = tpu.memref_squeeze %dma_wait3A_103 : memref<1x125xi32, #tpu.memory_space<vmem>> -> memref<125xi32, #tpu.memory_space<vmem>>
        %dma_wait3A_105 = arith.constant 0 : i32
        %dma_wait3A_106 = arith.constant 0 : i32
        %dma_wait3A_107 = tpu.memref_slice %arg11[%dma_wait3A_105, %dma_wait3A_106] : memref<10000x64xf32, #tpu.memory_space<vmem_shared>> -> memref<10000x64xf32, #tpu.memory_space<vmem_shared>>
        tpu.wait_indirect_dma semaphore(%run_scoped3A : memref<!tpu.dma_semaphore, #tpu.memory_space<semaphore_mem>>) src(%dma_wait3A_101 : memref<125x64xf32, #tpu.memory_space<vmem>>) dst(%dma_wait3A_107 : memref<10000x64xf32, #tpu.memory_space<vmem_shared>>)
        tpu.yield
      }) : () -> ()
      %mul3A_66 = arith.constant 2 : i32
      %mul3A_67 = arith.muli %add3A_21, %mul3A_66 : i32
      %add3A_68 = arith.constant 1 : i32
      %add3A_69 = arith.addi %mul3A_67, %add3A_68 : i32
      %dma_wait3A_70 = arith.constant 0 : i32
      %dma_wait3A_71 = tpu.memref_slice %arg2[%add3A_38, %dma_wait3A_70] : memref<320000x64xf32, #tpu.memory_space<hbm>> -> memref<500x64xf32, #tpu.memory_space<hbm>>
      %dma_wait3A_72 = arith.constant 0 : i32
      %dma_wait3A_73 = tpu.memref_slice %arg2[%add3A_38, %dma_wait3A_72] : memref<320000x64xf32, #tpu.memory_space<hbm>> -> memref<500x64xf32, #tpu.memory_space<hbm>>
      tpu.wait_dma2 semaphore(%arg10 : memref<!tpu.dma_semaphore, #tpu.memory_space<semaphore_mem>>) src(%dma_wait3A_73 : memref<500x64xf32, #tpu.memory_space<hbm>>) dst(%arg8 : memref<500x64xf32, #tpu.memory_space<vmem>>)
      %mul3A_74 = arith.constant 4 : i32
      %mul3A_75 = arith.muli %add3A_69, %mul3A_74 : i32
      %add3A_76 = arith.constant 0 : i32
      %add3A_77 = arith.addi %mul3A_75, %add3A_76 : i32
      "tpu.region"() ({
        %run_scoped3A = tpu.sem_alloc : memref<!tpu.dma_semaphore, #tpu.memory_space<semaphore_mem>>
        %dma_start3A_90 = arith.constant 0 : i32
        %dma_start3A_91 = arith.constant 0 : i32
        %dma_start3A_92 = tpu.memref_slice %arg8[%dma_start3A_90, %dma_start3A_91] : memref<500x64xf32, #tpu.memory_space<vmem>> -> memref<125x64xf32, #tpu.memory_space<vmem>>
        %dma_start3A_93 = arith.constant 0 : i32
        %dma_start3A_94 = tpu.memref_slice %arg6[%add3A_77, %dma_start3A_93] : memref<80x125xi32, #tpu.memory_space<vmem>> -> memref<1x125xi32, #tpu.memory_space<vmem>>
        %dma_start3A_95 = tpu.memref_squeeze %dma_start3A_94 : memref<1x125xi32, #tpu.memory_space<vmem>> -> memref<125xi32, #tpu.memory_space<vmem>>
        %dma_start3A_96 = arith.constant 0 : i32
        %dma_start3A_97 = arith.constant 0 : i32
        %dma_start3A_98 = tpu.memref_slice %arg11[%dma_start3A_96, %dma_start3A_97] : memref<10000x64xf32, #tpu.memory_space<vmem_shared>> -> memref<10000x64xf32, #tpu.memory_space<vmem_shared>>
        tpu.enqueue_indirect_dma source(%dma_start3A_92 : memref<125x64xf32, #tpu.memory_space<vmem>>) target(%dma_start3A_98 : memref<10000x64xf32, #tpu.memory_space<vmem_shared>>) offsets(%dma_start3A_95 : memref<125xi32, #tpu.memory_space<vmem>>) semaphore(%run_scoped3A : memref<!tpu.dma_semaphore, #tpu.memory_space<semaphore_mem>>) {add = true}
        %dma_wait3A_99 = arith.constant 0 : i32
        %dma_wait3A_100 = arith.constant 0 : i32
        %dma_wait3A_101 = tpu.memref_slice %arg8[%dma_wait3A_99, %dma_wait3A_100] : memref<500x64xf32, #tpu.memory_space<vmem>> -> memref<125x64xf32, #tpu.memory_space<vmem>>
        %dma_wait3A_102 = arith.constant 0 : i32
        %dma_wait3A_103 = tpu.memref_slice %arg6[%add3A_77, %dma_wait3A_102] : memref<80x125xi32, #tpu.memory_space<vmem>> -> memref<1x125xi32, #tpu.memory_space<vmem>>
        %dma_wait3A_104 = tpu.memref_squeeze %dma_wait3A_103 : memref<1x125xi32, #tpu.memory_space<vmem>> -> memref<125xi32, #tpu.memory_space<vmem>>
        %dma_wait3A_105 = arith.constant 0 : i32
        %dma_wait3A_106 = arith.constant 0 : i32
        %dma_wait3A_107 = tpu.memref_slice %arg11[%dma_wait3A_105, %dma_wait3A_106] : memref<10000x64xf32, #tpu.memory_space<vmem_shared>> -> memref<10000x64xf32, #tpu.memory_space<vmem_shared>>
        tpu.wait_indirect_dma semaphore(%run_scoped3A : memref<!tpu.dma_semaphore, #tpu.memory_space<semaphore_mem>>) src(%dma_wait3A_101 : memref<125x64xf32, #tpu.memory_space<vmem>>) dst(%dma_wait3A_107 : memref<10000x64xf32, #tpu.memory_space<vmem_shared>>)
        tpu.yield
      }) : () -> ()
      %mul3A_78 = arith.constant 4 : i32
      %mul3A_79 = arith.muli %add3A_69, %mul3A_78 : i32
      %add3A_80 = arith.constant 1 : i32
      %add3A_81 = arith.addi %mul3A_79, %add3A_80 : i32
      "tpu.region"() ({
        %run_scoped3A = tpu.sem_alloc : memref<!tpu.dma_semaphore, #tpu.memory_space<semaphore_mem>>
        %dma_start3A_90 = arith.constant 125 : i32
        %dma_start3A_91 = arith.constant 0 : i32
        %dma_start3A_92 = tpu.memref_slice %arg8[%dma_start3A_90, %dma_start3A_91] : memref<500x64xf32, #tpu.memory_space<vmem>> -> memref<125x64xf32, #tpu.memory_space<vmem>>
        %dma_start3A_93 = arith.constant 0 : i32
        %dma_start3A_94 = tpu.memref_slice %arg6[%add3A_81, %dma_start3A_93] : memref<80x125xi32, #tpu.memory_space<vmem>> -> memref<1x125xi32, #tpu.memory_space<vmem>>
        %dma_start3A_95 = tpu.memref_squeeze %dma_start3A_94 : memref<1x125xi32, #tpu.memory_space<vmem>> -> memref<125xi32, #tpu.memory_space<vmem>>
        %dma_start3A_96 = arith.constant 0 : i32
        %dma_start3A_97 = arith.constant 0 : i32
        %dma_start3A_98 = tpu.memref_slice %arg11[%dma_start3A_96, %dma_start3A_97] : memref<10000x64xf32, #tpu.memory_space<vmem_shared>> -> memref<10000x64xf32, #tpu.memory_space<vmem_shared>>
        tpu.enqueue_indirect_dma source(%dma_start3A_92 : memref<125x64xf32, #tpu.memory_space<vmem>>) target(%dma_start3A_98 : memref<10000x64xf32, #tpu.memory_space<vmem_shared>>) offsets(%dma_start3A_95 : memref<125xi32, #tpu.memory_space<vmem>>) semaphore(%run_scoped3A : memref<!tpu.dma_semaphore, #tpu.memory_space<semaphore_mem>>) {add = true}
        %dma_wait3A_99 = arith.constant 125 : i32
        %dma_wait3A_100 = arith.constant 0 : i32
        %dma_wait3A_101 = tpu.memref_slice %arg8[%dma_wait3A_99, %dma_wait3A_100] : memref<500x64xf32, #tpu.memory_space<vmem>> -> memref<125x64xf32, #tpu.memory_space<vmem>>
        %dma_wait3A_102 = arith.constant 0 : i32
        %dma_wait3A_103 = tpu.memref_slice %arg6[%add3A_81, %dma_wait3A_102] : memref<80x125xi32, #tpu.memory_space<vmem>> -> memref<1x125xi32, #tpu.memory_space<vmem>>
        %dma_wait3A_104 = tpu.memref_squeeze %dma_wait3A_103 : memref<1x125xi32, #tpu.memory_space<vmem>> -> memref<125xi32, #tpu.memory_space<vmem>>
        %dma_wait3A_105 = arith.constant 0 : i32
        %dma_wait3A_106 = arith.constant 0 : i32
        %dma_wait3A_107 = tpu.memref_slice %arg11[%dma_wait3A_105, %dma_wait3A_106] : memref<10000x64xf32, #tpu.memory_space<vmem_shared>> -> memref<10000x64xf32, #tpu.memory_space<vmem_shared>>
        tpu.wait_indirect_dma semaphore(%run_scoped3A : memref<!tpu.dma_semaphore, #tpu.memory_space<semaphore_mem>>) src(%dma_wait3A_101 : memref<125x64xf32, #tpu.memory_space<vmem>>) dst(%dma_wait3A_107 : memref<10000x64xf32, #tpu.memory_space<vmem_shared>>)
        tpu.yield
      }) : () -> ()
      %mul3A_82 = arith.constant 4 : i32
      %mul3A_83 = arith.muli %add3A_69, %mul3A_82 : i32
      %add3A_84 = arith.constant 2 : i32
      %add3A_85 = arith.addi %mul3A_83, %add3A_84 : i32
      "tpu.region"() ({
        %run_scoped3A = tpu.sem_alloc : memref<!tpu.dma_semaphore, #tpu.memory_space<semaphore_mem>>
        %dma_start3A_90 = arith.constant 250 : i32
        %dma_start3A_91 = arith.constant 0 : i32
        %dma_start3A_92 = tpu.memref_slice %arg8[%dma_start3A_90, %dma_start3A_91] : memref<500x64xf32, #tpu.memory_space<vmem>> -> memref<125x64xf32, #tpu.memory_space<vmem>>
        %dma_start3A_93 = arith.constant 0 : i32
        %dma_start3A_94 = tpu.memref_slice %arg6[%add3A_85, %dma_start3A_93] : memref<80x125xi32, #tpu.memory_space<vmem>> -> memref<1x125xi32, #tpu.memory_space<vmem>>
        %dma_start3A_95 = tpu.memref_squeeze %dma_start3A_94 : memref<1x125xi32, #tpu.memory_space<vmem>> -> memref<125xi32, #tpu.memory_space<vmem>>
        %dma_start3A_96 = arith.constant 0 : i32
        %dma_start3A_97 = arith.constant 0 : i32
        %dma_start3A_98 = tpu.memref_slice %arg11[%dma_start3A_96, %dma_start3A_97] : memref<10000x64xf32, #tpu.memory_space<vmem_shared>> -> memref<10000x64xf32, #tpu.memory_space<vmem_shared>>
        tpu.enqueue_indirect_dma source(%dma_start3A_92 : memref<125x64xf32, #tpu.memory_space<vmem>>) target(%dma_start3A_98 : memref<10000x64xf32, #tpu.memory_space<vmem_shared>>) offsets(%dma_start3A_95 : memref<125xi32, #tpu.memory_space<vmem>>) semaphore(%run_scoped3A : memref<!tpu.dma_semaphore, #tpu.memory_space<semaphore_mem>>) {add = true}
        %dma_wait3A_99 = arith.constant 250 : i32
        %dma_wait3A_100 = arith.constant 0 : i32
        %dma_wait3A_101 = tpu.memref_slice %arg8[%dma_wait3A_99, %dma_wait3A_100] : memref<500x64xf32, #tpu.memory_space<vmem>> -> memref<125x64xf32, #tpu.memory_space<vmem>>
        %dma_wait3A_102 = arith.constant 0 : i32
        %dma_wait3A_103 = tpu.memref_slice %arg6[%add3A_85, %dma_wait3A_102] : memref<80x125xi32, #tpu.memory_space<vmem>> -> memref<1x125xi32, #tpu.memory_space<vmem>>
        %dma_wait3A_104 = tpu.memref_squeeze %dma_wait3A_103 : memref<1x125xi32, #tpu.memory_space<vmem>> -> memref<125xi32, #tpu.memory_space<vmem>>
        %dma_wait3A_105 = arith.constant 0 : i32
        %dma_wait3A_106 = arith.constant 0 : i32
        %dma_wait3A_107 = tpu.memref_slice %arg11[%dma_wait3A_105, %dma_wait3A_106] : memref<10000x64xf32, #tpu.memory_space<vmem_shared>> -> memref<10000x64xf32, #tpu.memory_space<vmem_shared>>
        tpu.wait_indirect_dma semaphore(%run_scoped3A : memref<!tpu.dma_semaphore, #tpu.memory_space<semaphore_mem>>) src(%dma_wait3A_101 : memref<125x64xf32, #tpu.memory_space<vmem>>) dst(%dma_wait3A_107 : memref<10000x64xf32, #tpu.memory_space<vmem_shared>>)
        tpu.yield
      }) : () -> ()
      %mul3A_86 = arith.constant 4 : i32
      %mul3A_87 = arith.muli %add3A_69, %mul3A_86 : i32
      %add3A_88 = arith.constant 3 : i32
      %add3A_89 = arith.addi %mul3A_87, %add3A_88 : i32
      "tpu.region"() ({
        %run_scoped3A = tpu.sem_alloc : memref<!tpu.dma_semaphore, #tpu.memory_space<semaphore_mem>>
        %dma_start3A_90 = arith.constant 375 : i32
        %dma_start3A_91 = arith.constant 0 : i32
        %dma_start3A_92 = tpu.memref_slice %arg8[%dma_start3A_90, %dma_start3A_91] : memref<500x64xf32, #tpu.memory_space<vmem>> -> memref<125x64xf32, #tpu.memory_space<vmem>>
        %dma_start3A_93 = arith.constant 0 : i32
        %dma_start3A_94 = tpu.memref_slice %arg6[%add3A_89, %dma_start3A_93] : memref<80x125xi32, #tpu.memory_space<vmem>> -> memref<1x125xi32, #tpu.memory_space<vmem>>
        %dma_start3A_95 = tpu.memref_squeeze %dma_start3A_94 : memref<1x125xi32, #tpu.memory_space<vmem>> -> memref<125xi32, #tpu.memory_space<vmem>>
        %dma_start3A_96 = arith.constant 0 : i32
        %dma_start3A_97 = arith.constant 0 : i32
        %dma_start3A_98 = tpu.memref_slice %arg11[%dma_start3A_96, %dma_start3A_97] : memref<10000x64xf32, #tpu.memory_space<vmem_shared>> -> memref<10000x64xf32, #tpu.memory_space<vmem_shared>>
        tpu.enqueue_indirect_dma source(%dma_start3A_92 : memref<125x64xf32, #tpu.memory_space<vmem>>) target(%dma_start3A_98 : memref<10000x64xf32, #tpu.memory_space<vmem_shared>>) offsets(%dma_start3A_95 : memref<125xi32, #tpu.memory_space<vmem>>) semaphore(%run_scoped3A : memref<!tpu.dma_semaphore, #tpu.memory_space<semaphore_mem>>) {add = true}
        %dma_wait3A_99 = arith.constant 375 : i32
        %dma_wait3A_100 = arith.constant 0 : i32
        %dma_wait3A_101 = tpu.memref_slice %arg8[%dma_wait3A_99, %dma_wait3A_100] : memref<500x64xf32, #tpu.memory_space<vmem>> -> memref<125x64xf32, #tpu.memory_space<vmem>>
        %dma_wait3A_102 = arith.constant 0 : i32
        %dma_wait3A_103 = tpu.memref_slice %arg6[%add3A_89, %dma_wait3A_102] : memref<80x125xi32, #tpu.memory_space<vmem>> -> memref<1x125xi32, #tpu.memory_space<vmem>>
        %dma_wait3A_104 = tpu.memref_squeeze %dma_wait3A_103 : memref<1x125xi32, #tpu.memory_space<vmem>> -> memref<125xi32, #tpu.memory_space<vmem>>
        %dma_wait3A_105 = arith.constant 0 : i32
        %dma_wait3A_106 = arith.constant 0 : i32
        %dma_wait3A_107 = tpu.memref_slice %arg11[%dma_wait3A_105, %dma_wait3A_106] : memref<10000x64xf32, #tpu.memory_space<vmem_shared>> -> memref<10000x64xf32, #tpu.memory_space<vmem_shared>>
        tpu.wait_indirect_dma semaphore(%run_scoped3A : memref<!tpu.dma_semaphore, #tpu.memory_space<semaphore_mem>>) src(%dma_wait3A_101 : memref<125x64xf32, #tpu.memory_space<vmem>>) dst(%dma_wait3A_107 : memref<10000x64xf32, #tpu.memory_space<vmem_shared>>)
        tpu.yield
      }) : () -> ()
    }
    %scan3A_12 = arith.constant 10 : i32
    %barrier3A_13 = arith.constant 0 : index
    tpu.barrier barrier_id(%barrier3A_13)
    %mul3A_14 = arith.constant 10000 : i32
    %mul3A_15 = arith.muli %arg0, %mul3A_14 : i32
    %add3A_16 = arith.addi %mul3A_15, %mul3A_8 : i32
    "tpu.region"() ({
      %run_scoped3A = tpu.sem_alloc : memref<!tpu.dma_semaphore, #tpu.memory_space<semaphore_mem>>
      %dma_start3A = arith.constant 0 : i32
      %dma_start3A_17 = tpu.memref_slice %arg5[%add3A_16, %dma_start3A] : memref<20000x64xf32, #tpu.memory_space<hbm>> -> memref<625x64xf32, #tpu.memory_space<hbm>>
      %dma_start3A_18 = arith.constant 0 : i32
      %dma_start3A_19 = tpu.memref_slice %arg11[%mul3A_8, %dma_start3A_18] : memref<10000x64xf32, #tpu.memory_space<vmem_shared>> -> memref<625x64xf32, #tpu.memory_space<vmem_shared>>
      tpu.enqueue_dma source(%dma_start3A_19 : memref<625x64xf32, #tpu.memory_space<vmem_shared>>) target(%dma_start3A_17 : memref<625x64xf32, #tpu.memory_space<hbm>>) target_semaphore(%run_scoped3A : memref<!tpu.dma_semaphore, #tpu.memory_space<semaphore_mem>>)
      %dma_wait3A = arith.constant 0 : i32
      %dma_wait3A_20 = tpu.memref_slice %arg5[%add3A_16, %dma_wait3A] : memref<20000x64xf32, #tpu.memory_space<hbm>> -> memref<625x64xf32, #tpu.memory_space<hbm>>
      %dma_wait3A_21 = arith.constant 0 : i32
      %dma_wait3A_22 = tpu.memref_slice %arg11[%mul3A_8, %dma_wait3A_21] : memref<10000x64xf32, #tpu.memory_space<vmem_shared>> -> memref<625x64xf32, #tpu.memory_space<vmem_shared>>
      tpu.wait_dma2 semaphore(%run_scoped3A : memref<!tpu.dma_semaphore, #tpu.memory_space<semaphore_mem>>) src(%dma_wait3A_22 : memref<625x64xf32, #tpu.memory_space<vmem_shared>>) dst(%dma_wait3A_20 : memref<625x64xf32, #tpu.memory_space<hbm>>)
      tpu.yield
    }) : () -> ()
    return
  }
}

module attributes {stable_mosaic.version = 14 : i64} {
  func.func @_xa_body(%arg0: memref<10000x128xf32, #tpu.memory_space<vmem>>, %arg1: memref<128x64xf32, #tpu.memory_space<vmem>>, %arg2: memref<10000x64xf32, #tpu.memory_space<vmem>>) attributes {dimension_semantics = [], scalar_prefetch = 0 : i64, scratch_operands = 0 : i64, tpu.core_type = #tpu.core_type<tc>} {
    %get3A = arith.constant 0 : index
    %get3A_0 = arith.constant 0 : index
    %get3A_1 = vector.load %arg0[%get3A, %get3A_0] : memref<10000x128xf32, #tpu.memory_space<vmem>>, vector<10000x128xf32>
    %get3A_2 = arith.constant 0 : index
    %get3A_3 = arith.constant 0 : index
    %get3A_4 = vector.load %arg1[%get3A_2, %get3A_3] : memref<128x64xf32, #tpu.memory_space<vmem>>, vector<128x64xf32>
    %dot_general3A = arith.constant dense<0.000000e+00> : vector<10000x64xf32>
    %dot_general3A_5 = tpu.matmul %get3A_1, %get3A_4, %dot_general3A {dimension_numbers = #tpu.dot_dimension_numbers<[1], [0], [0], [1], [0, 0, 1, 1], [], []>, transpose_lhs_hint = false} : vector<10000x128xf32>, vector<128x64xf32>, vector<10000x64xf32> -> vector<10000x64xf32>
    %swap3A = arith.constant 0 : index
    %swap3A_6 = arith.constant 0 : index
    %swap3A_7 = vector.load %arg2[%swap3A, %swap3A_6] : memref<10000x64xf32, #tpu.memory_space<vmem>>, vector<10000x64xf32>
    tpu.vector_store %arg2[%swap3A, %swap3A_6], %dot_general3A_5 {strides = array<i32>} : memref<10000x64xf32, #tpu.memory_space<vmem>>, vector<10000x64xf32>,
    return
  }
}

module attributes {stable_mosaic.version = 14 : i64} {
  func.func @_mlp_body(%arg0: i32, %arg1: memref<2000x128xf32, #tpu.memory_space<vmem>>, %arg2: memref<4000x16xf32, #tpu.memory_space<vmem>>, %arg3: memref<16x128xf32, #tpu.memory_space<vmem>>, %arg4: memref<128x128xf32, #tpu.memory_space<vmem>>, %arg5: memref<1x128xf32, #tpu.memory_space<vmem>>, %arg6: memref<1x128xf32, #tpu.memory_space<vmem>>, %arg7: memref<1x128xf32, #tpu.memory_space<vmem>>, %arg8: memref<128x128xf32, #tpu.memory_space<vmem>>, %arg9: memref<1x128xf32, #tpu.memory_space<vmem>>, %arg10: memref<1x128xf32, #tpu.memory_space<vmem>>, %arg11: memref<1x128xf32, #tpu.memory_space<vmem>>, %arg12: memref<2000x128xf32, #tpu.memory_space<vmem>>) attributes {dimension_semantics = [#tpu.dimension_semantics<arbitrary>], iteration_bounds = array<i64: 80>, scalar_prefetch = 0 : i64, scratch_operands = 0 : i64, tpu.core_type = #tpu.core_type<tc>, window_params = [{transform_indices = @transform_0, window_bounds = array<i64: 2000, 128>}, {transform_indices = @transform_1, window_bounds = array<i64: 4000, 16>}, {pipeline_mode = #tpu.pipeline_mode<synchronous>, transform_indices = @transform_2, window_bounds = array<i64: 16, 128>}, {pipeline_mode = #tpu.pipeline_mode<synchronous>, transform_indices = @transform_3, window_bounds = array<i64: 128, 128>}, {pipeline_mode = #tpu.pipeline_mode<synchronous>, transform_indices = @transform_4, window_bounds = array<i64: 1, 128>}, {pipeline_mode = #tpu.pipeline_mode<synchronous>, transform_indices = @transform_5, window_bounds = array<i64: 1, 128>}, {pipeline_mode = #tpu.pipeline_mode<synchronous>, transform_indices = @transform_6, window_bounds = array<i64: 1, 128>}, {pipeline_mode = #tpu.pipeline_mode<synchronous>, transform_indices = @transform_7, window_bounds = array<i64: 128, 128>}, {pipeline_mode = #tpu.pipeline_mode<synchronous>, transform_indices = @transform_8, window_bounds = array<i64: 1, 128>}, {pipeline_mode = #tpu.pipeline_mode<synchronous>, transform_indices = @transform_9, window_bounds = array<i64: 1, 128>}, {pipeline_mode = #tpu.pipeline_mode<synchronous>, transform_indices = @transform_10, window_bounds = array<i64: 1, 128>}, {transform_indices = @transform_11, window_bounds = array<i64: 2000, 128>}]} {
    %get3A = arith.constant 0 : index
    %get3A_0 = arith.constant 0 : index
    %get3A_1 = vector.load %arg4[%get3A, %get3A_0] : memref<128x128xf32, #tpu.memory_space<vmem>>, vector<128x128xf32>
    %iota3A = tpu.iota {dimensions = array<i32: 1>} : vector<1x128xi32>
    %lt3A = arith.constant 64 : i32
    %lt3A_2 = vector.broadcast %lt3A : i32 to vector<1x128xi32>
    %lt3A_3 = arith.cmpi slt, %iota3A, %lt3A_2 : vector<1x128xi32>
    %convert_element_type3A = arith.extui %lt3A_3 : vector<1x128xi1> to vector<1x128xi32>
    %convert_element_type3A_4 = arith.sitofp %convert_element_type3A : vector<1x128xi32> to vector<1x128xf32>
    %get3A_5 = arith.constant 0 : index
    %get3A_6 = arith.constant 0 : index
    %get3A_7 = vector.load %arg2[%get3A_5, %get3A_6] : memref<4000x16xf32, #tpu.memory_space<vmem>>, vector<4000x16xf32>
    %get3A_8 = arith.constant 0 : index
    %get3A_9 = arith.constant 0 : index
    %get3A_10 = vector.load %arg3[%get3A_8, %get3A_9] : memref<16x128xf32, #tpu.memory_space<vmem>>, vector<16x128xf32>
    %dot_general3A = arith.constant dense<0.000000e+00> : vector<4000x128xf32>
    %dot_general3A_11 = tpu.matmul %get3A_7, %get3A_10, %dot_general3A {dimension_numbers = #tpu.dot_dimension_numbers<[1], [0], [0], [1], [0, 0, 1, 1], [], []>, transpose_lhs_hint = false} : vector<4000x16xf32>, vector<16x128xf32>, vector<4000x128xf32> -> vector<4000x128xf32>
    %reshape3A = vector.shape_cast %dot_general3A_11 : vector<4000x128xf32> to vector<2000x2x128xf32>
    %slice3A = vector.extract_strided_slice %reshape3A {offsets = [0, 0, 0], sizes = [2000, 1, 128], strides = [1, 1, 1]} : vector<2000x2x128xf32> to vector<2000x1x128xf32>
    %squeeze3A = vector.shape_cast %slice3A : vector<2000x1x128xf32> to vector<2000x128xf32>
    %mul3A = vector.broadcast %convert_element_type3A_4 : vector<1x128xf32> to vector<2000x128xf32>
    %mul3A_12 = arith.mulf %squeeze3A, %mul3A : vector<2000x128xf32>
    %slice3A_13 = vector.extract_strided_slice %reshape3A {offsets = [0, 1, 0], sizes = [2000, 1, 128], strides = [1, 1, 1]} : vector<2000x2x128xf32> to vector<2000x1x128xf32>
    %squeeze3A_14 = vector.shape_cast %slice3A_13 : vector<2000x1x128xf32> to vector<2000x128xf32>
    %sub3A = arith.constant 1.000000e+00 : f32
    %sub3A_15 = vector.broadcast %sub3A : f32 to vector<1x128xf32>
    %sub3A_16 = arith.subf %sub3A_15, %convert_element_type3A_4 : vector<1x128xf32>
    %mul3A_17 = vector.broadcast %sub3A_16 : vector<1x128xf32> to vector<2000x128xf32>
    %mul3A_18 = arith.mulf %squeeze3A_14, %mul3A_17 : vector<2000x128xf32>
    %add3A = arith.addf %mul3A_12, %mul3A_18 : vector<2000x128xf32>
    %get3A_19 = arith.constant 0 : index
    %get3A_20 = arith.constant 0 : index
    %get3A_21 = vector.load %arg1[%get3A_19, %get3A_20] : memref<2000x128xf32, #tpu.memory_space<vmem>>, vector<2000x128xf32>
    %add3A_22 = arith.addf %get3A_21, %add3A : vector<2000x128xf32>
    %get3A_23 = arith.constant 0 : index
    %get3A_24 = arith.constant 0 : index
    %get3A_25 = vector.load %arg5[%get3A_23, %get3A_24] : memref<1x128xf32, #tpu.memory_space<vmem>>, vector<1x128xf32>
    %add3A_26 = vector.broadcast %get3A_25 : vector<1x128xf32> to vector<2000x128xf32>
    %add3A_27 = arith.addf %add3A_22, %add3A_26 : vector<2000x128xf32>
    %max3A = arith.constant 0.000000e+00 : f32
    %max3A_28 = vector.broadcast %max3A : f32 to vector<2000x128xf32>
    %max3A_29 = arith.maximumf %add3A_27, %max3A_28 : vector<2000x128xf32>
    %get3A_30 = arith.constant 0 : index
    %get3A_31 = arith.constant 0 : index
    %get3A_32 = vector.load %arg6[%get3A_30, %get3A_31] : memref<1x128xf32, #tpu.memory_space<vmem>>, vector<1x128xf32>
    %get3A_33 = arith.constant 0 : index
    %get3A_34 = arith.constant 0 : index
    %get3A_35 = vector.load %arg7[%get3A_33, %get3A_34] : memref<1x128xf32, #tpu.memory_space<vmem>>, vector<1x128xf32>
    %dot_general3A_36 = arith.constant dense<0.000000e+00> : vector<2000x128xf32>
    %dot_general3A_37 = tpu.matmul %max3A_29, %get3A_1, %dot_general3A_36 {dimension_numbers = #tpu.dot_dimension_numbers<[1], [0], [0], [1], [0, 0, 1, 1], [], []>, transpose_lhs_hint = false} : vector<2000x128xf32>, vector<128x128xf32>, vector<2000x128xf32> -> vector<2000x128xf32>
    %sub3A_38 = arith.subf %max3A_29, %dot_general3A_37 : vector<2000x128xf32>
    %mul3A_39 = arith.mulf %sub3A_38, %sub3A_38 : vector<2000x128xf32>
    %dot_general3A_40 = arith.constant dense<0.000000e+00> : vector<2000x128xf32>
    %dot_general3A_41 = tpu.matmul %mul3A_39, %get3A_1, %dot_general3A_40 {dimension_numbers = #tpu.dot_dimension_numbers<[1], [0], [0], [1], [0, 0, 1, 1], [], []>, transpose_lhs_hint = false} : vector<2000x128xf32>, vector<128x128xf32>, vector<2000x128xf32> -> vector<2000x128xf32>
    %add3A_42 = arith.constant 9.99999974E-6 : f32
    %add3A_43 = vector.broadcast %add3A_42 : f32 to vector<2000x128xf32>
    %add3A_44 = arith.addf %dot_general3A_41, %add3A_43 : vector<2000x128xf32>
    %rsqrt3A = math.rsqrt %add3A_44 : vector<2000x128xf32>
    %mul3A_45 = arith.mulf %sub3A_38, %rsqrt3A : vector<2000x128xf32>
    %mul3A_46 = vector.broadcast %get3A_32 : vector<1x128xf32> to vector<2000x128xf32>
    %mul3A_47 = arith.mulf %mul3A_45, %mul3A_46 : vector<2000x128xf32>
    %add3A_48 = vector.broadcast %get3A_35 : vector<1x128xf32> to vector<2000x128xf32>
    %add3A_49 = arith.addf %mul3A_47, %add3A_48 : vector<2000x128xf32>
    %get3A_50 = arith.constant 0 : index
    %get3A_51 = arith.constant 0 : index
    %get3A_52 = vector.load %arg8[%get3A_50, %get3A_51] : memref<128x128xf32, #tpu.memory_space<vmem>>, vector<128x128xf32>
    %dot_general3A_53 = arith.constant dense<0.000000e+00> : vector<2000x128xf32>
    %dot_general3A_54 = tpu.matmul %add3A_49, %get3A_52, %dot_general3A_53 {dimension_numbers = #tpu.dot_dimension_numbers<[1], [0], [0], [1], [0, 0, 1, 1], [], []>, transpose_lhs_hint = false} : vector<2000x128xf32>, vector<128x128xf32>, vector<2000x128xf32> -> vector<2000x128xf32>
    %get3A_55 = arith.constant 0 : index
    %get3A_56 = arith.constant 0 : index
    %get3A_57 = vector.load %arg9[%get3A_55, %get3A_56] : memref<1x128xf32, #tpu.memory_space<vmem>>, vector<1x128xf32>
    %add3A_58 = vector.broadcast %get3A_57 : vector<1x128xf32> to vector<2000x128xf32>
    %add3A_59 = arith.addf %dot_general3A_54, %add3A_58 : vector<2000x128xf32>
    %max3A_60 = arith.constant 0.000000e+00 : f32
    %max3A_61 = vector.broadcast %max3A_60 : f32 to vector<2000x128xf32>
    %max3A_62 = arith.maximumf %add3A_59, %max3A_61 : vector<2000x128xf32>
    %get3A_63 = arith.constant 0 : index
    %get3A_64 = arith.constant 0 : index
    %get3A_65 = vector.load %arg10[%get3A_63, %get3A_64] : memref<1x128xf32, #tpu.memory_space<vmem>>, vector<1x128xf32>
    %get3A_66 = arith.constant 0 : index
    %get3A_67 = arith.constant 0 : index
    %get3A_68 = vector.load %arg11[%get3A_66, %get3A_67] : memref<1x128xf32, #tpu.memory_space<vmem>>, vector<1x128xf32>
    %dot_general3A_69 = arith.constant dense<0.000000e+00> : vector<2000x128xf32>
    %dot_general3A_70 = tpu.matmul %max3A_62, %get3A_1, %dot_general3A_69 {dimension_numbers = #tpu.dot_dimension_numbers<[1], [0], [0], [1], [0, 0, 1, 1], [], []>, transpose_lhs_hint = false} : vector<2000x128xf32>, vector<128x128xf32>, vector<2000x128xf32> -> vector<2000x128xf32>
    %sub3A_71 = arith.subf %max3A_62, %dot_general3A_70 : vector<2000x128xf32>
    %mul3A_72 = arith.mulf %sub3A_71, %sub3A_71 : vector<2000x128xf32>
    %dot_general3A_73 = arith.constant dense<0.000000e+00> : vector<2000x128xf32>
    %dot_general3A_74 = tpu.matmul %mul3A_72, %get3A_1, %dot_general3A_73 {dimension_numbers = #tpu.dot_dimension_numbers<[1], [0], [0], [1], [0, 0, 1, 1], [], []>, transpose_lhs_hint = false} : vector<2000x128xf32>, vector<128x128xf32>, vector<2000x128xf32> -> vector<2000x128xf32>
    %add3A_75 = arith.constant 9.99999974E-6 : f32
    %add3A_76 = vector.broadcast %add3A_75 : f32 to vector<2000x128xf32>
    %add3A_77 = arith.addf %dot_general3A_74, %add3A_76 : vector<2000x128xf32>
    %rsqrt3A_78 = math.rsqrt %add3A_77 : vector<2000x128xf32>
    %mul3A_79 = arith.mulf %sub3A_71, %rsqrt3A_78 : vector<2000x128xf32>
    %mul3A_80 = vector.broadcast %get3A_65 : vector<1x128xf32> to vector<2000x128xf32>
    %mul3A_81 = arith.mulf %mul3A_79, %mul3A_80 : vector<2000x128xf32>
    %add3A_82 = vector.broadcast %get3A_68 : vector<1x128xf32> to vector<2000x128xf32>
    %add3A_83 = arith.addf %mul3A_81, %add3A_82 : vector<2000x128xf32>
    %swap3A = arith.constant 0 : index
    %swap3A_84 = arith.constant 0 : index
    %swap3A_85 = vector.load %arg12[%swap3A, %swap3A_84] : memref<2000x128xf32, #tpu.memory_space<vmem>>, vector<2000x128xf32>
    tpu.vector_store %arg12[%swap3A, %swap3A_84], %add3A_83 {strides = array<i32>} : memref<2000x128xf32, #tpu.memory_space<vmem>>, vector<2000x128xf32>,
    return
  }
  func.func @transform_0(%arg0: i32) -> (i32, i32) {
    %c0_i32 = arith.constant 0 : i32
    %c0_i32_0 = arith.constant 0 : i32
    return %arg0, %c0_i32 : i32, i32
  }
  func.func @transform_1(%arg0: i32) -> (i32, i32) {
    %c0_i32 = arith.constant 0 : i32
    %c0_i32_0 = arith.constant 0 : i32
    return %arg0, %c0_i32 : i32, i32
  }
  func.func @transform_2(%arg0: i32) -> (i32, i32) {
    %c0_i32 = arith.constant 0 : i32
    %c0_i32_0 = arith.constant 0 : i32
    %c0_i32_1 = arith.constant 0 : i32
    return %c0_i32, %c0_i32_0 : i32, i32
  }
  func.func @transform_3(%arg0: i32) -> (i32, i32) {
    %c0_i32 = arith.constant 0 : i32
    %c0_i32_0 = arith.constant 0 : i32
    %c0_i32_1 = arith.constant 0 : i32
    return %c0_i32, %c0_i32_0 : i32, i32
  }
  func.func @transform_4(%arg0: i32) -> (i32, i32) {
    %c0_i32 = arith.constant 0 : i32
    %c0_i32_0 = arith.constant 0 : i32
    %c0_i32_1 = arith.constant 0 : i32
    return %c0_i32, %c0_i32_0 : i32, i32
  }
  func.func @transform_5(%arg0: i32) -> (i32, i32) {
    %c0_i32 = arith.constant 0 : i32
    %c0_i32_0 = arith.constant 0 : i32
    %c0_i32_1 = arith.constant 0 : i32
    return %c0_i32, %c0_i32_0 : i32, i32
  }
  func.func @transform_6(%arg0: i32) -> (i32, i32) {
    %c0_i32 = arith.constant 0 : i32
    %c0_i32_0 = arith.constant 0 : i32
    %c0_i32_1 = arith.constant 0 : i32
    return %c0_i32, %c0_i32_0 : i32, i32
  }
  func.func @transform_7(%arg0: i32) -> (i32, i32) {
    %c0_i32 = arith.constant 0 : i32
    %c0_i32_0 = arith.constant 0 : i32
    %c0_i32_1 = arith.constant 0 : i32
    return %c0_i32, %c0_i32_0 : i32, i32
  }
  func.func @transform_8(%arg0: i32) -> (i32, i32) {
    %c0_i32 = arith.constant 0 : i32
    %c0_i32_0 = arith.constant 0 : i32
    %c0_i32_1 = arith.constant 0 : i32
    return %c0_i32, %c0_i32_0 : i32, i32
  }
  func.func @transform_9(%arg0: i32) -> (i32, i32) {
    %c0_i32 = arith.constant 0 : i32
    %c0_i32_0 = arith.constant 0 : i32
    %c0_i32_1 = arith.constant 0 : i32
    return %c0_i32, %c0_i32_0 : i32, i32
  }
  func.func @transform_10(%arg0: i32) -> (i32, i32) {
    %c0_i32 = arith.constant 0 : i32
    %c0_i32_0 = arith.constant 0 : i32
    %c0_i32_1 = arith.constant 0 : i32
    return %c0_i32, %c0_i32_0 : i32, i32
  }
  func.func @transform_11(%arg0: i32) -> (i32, i32) {
    %c0_i32 = arith.constant 0 : i32
    %c0_i32_0 = arith.constant 0 : i32
    return %arg0, %c0_i32 : i32, i32
  }
}

module attributes {stable_mosaic.version = 14 : i64} {
  func.func @_sum_body(%arg0: memref<2x10000x64xf32, #tpu.memory_space<vmem>>, %arg1: memref<10000x64xf32, #tpu.memory_space<vmem>>) attributes {dimension_semantics = [], scalar_prefetch = 0 : i64, scratch_operands = 0 : i64, tpu.core_type = #tpu.core_type<tc>} {
    %get3A = arith.constant 0 : index
    %get3A_0 = arith.constant 0 : index
    %get3A_1 = arith.constant 0 : index
    %get3A_2 = vector.load %arg0[%get3A, %get3A_0, %get3A_1] : memref<2x10000x64xf32, #tpu.memory_space<vmem>>, vector<1x10000x64xf32>
    %get3A_3 = vector.shape_cast %get3A_2 : vector<1x10000x64xf32> to vector<10000x64xf32>
    %get3A_4 = arith.constant 1 : index
    %get3A_5 = arith.constant 0 : index
    %get3A_6 = arith.constant 0 : index
    %get3A_7 = vector.load %arg0[%get3A_4, %get3A_5, %get3A_6] : memref<2x10000x64xf32, #tpu.memory_space<vmem>>, vector<1x10000x64xf32>
    %get3A_8 = vector.shape_cast %get3A_7 : vector<1x10000x64xf32> to vector<10000x64xf32>
    %add3A = arith.addf %get3A_3, %get3A_8 : vector<10000x64xf32>
    %swap3A = arith.constant 0 : index
    %swap3A_9 = arith.constant 0 : index
    %swap3A_10 = vector.load %arg1[%swap3A, %swap3A_9] : memref<10000x64xf32, #tpu.memory_space<vmem>>, vector<10000x64xf32>
    tpu.vector_store %arg1[%swap3A, %swap3A_9], %add3A {strides = array<i32>} : memref<10000x64xf32, #tpu.memory_space<vmem>>, vector<10000x64xf32>,
    return
  }
}

</mosaic_0001>

<sc_bundles>
// kernel: kernel.10.cloned.1.call-start
scs
__scs_entry_jumppad:
0x0: {  	(pc) =	sbr.rel $0x88, $3  }
0x1: {  	(tag) =	ssettag $0x0;
	lr =	simm.s32 $0x1  }
0x2: {  	[smem:$0x3F96] =	sst lr;
	_ =	strace $0xD0000000  }
0x3: {  	_ = 	snop  }
0x4: {  	_ = 	snop  }
0x5: {  	_ = 	snop  }
0x6: {  	_ = 	snop  }
0x7: {  	_ = 	snop  }
__scs_overlays_trampoline_lowered:
0x8: {  	[smem:$0x3FA5] =	sst s0  }
0x9: {  	[smem:$0x3FA6] =	sst s1  }
0xa: {  	[smem:$0x3FA7] =	sst s2  }
0xb: {  	[smem:$0x3FA8] =	sst s3  }
0xc: {  	[smem:$0x3FA9] =	sst s4  }
0xd: {  	[smem:$0x3FAA] =	sst s5  }
0xe: {  	[smem:$0x3FAB] =	sst s6  }
0xf: {  	[smem:$0x3FAC] =	sst s7  }
0x10: {  	[smem:$0x3FAD] =	sst s8  }
0x11: {  	[smem:$0x3FAE] =	sst s9;
	s0 =	simm.s32 @!p0 $0x0  }
0x12: {  	s1 =	sld [smem:$0x3F94];
	s0 =	simm.s32 @p0 $0x1  }
0x13: {  	[smem:$0x3FAF] =	sst s0;
	s0 =	simm.s32 @!p1 $0x0  }
0x14: {  	s2 =	sld [smem:$0x3F93];
	s0 =	simm.s32 @p1 $0x1  }
0x15: {  	[smem:$0x3FB0] =	sst s0;
	s0 =	simm.s32 @!p2 $0x0  }
0x16: {  	s3 =	sld [smem:$0x3FDB];
	s0 =	simm.s32 @p2 $0x1  }
0x17: {  	s4 =	simm.s32 $0x1BF5;
	[smem:$0x3FB2] =	sst s0  }
0x18: {  	s0 =	sld [smem:$0x3F95];
	_ =	swait.ge [sflag:s4], $0x0  }
0x19: {  	s7 =	sld [smem:$0x3F96]  }
0x1a: {  	s8 =	sadd.s32 $0xFFFFE003, lr  }
0x1b: {  	s9 =	sadd.s32 $0xFFFFFEF7, lr;
	s5 =	simm.s32 $0xFFFFFFFF;
	p2 =	slt.u32 s8, $0xFFFFF086  }
0x1c: {  	p1 =	slt.u32 s9, $0xF7A;
	s5 =	simm.s32 @!p2 $0x0  }
0x1d: {  	s5 =	simm.s32 @p1 $0x1;
	p0 =	seq.s32 s7, s2  }
0x1e: {  	s7 =	smul.u32 @!p0 $0xF7A, s2;
	p2 =	seq.s32 @!p0 s5, $0x0  }
0x1f: {  	s9 =	smul.u32 $0xF7A, s1;
	s8 =	simm.s32 @!p0 $0x1BF5;
	p2 =	por !p2, p0  }
0x20: {  	[sflag:s8] =	ssyncset.s32 @!p0 $0xFFFFF086;
	s6 =	sadd.s32 @!p0 s3, s7;
	s7 =	simm.s32 @!p0 $0x108  }
0x21: {  	s3 =	sadd.s32 s3, s9;
	s6 =	sadd.s32 @!p0 $0x88, s6;
	s7 =	simm.s32 @p2 $0x1082  }
0x22: {  	[simem:s7], [sflag:s8] =	dma.local @!p0 [hbm:s6], $0xF7A  }
0x23: {  	s9 =	sor.u32 $0xD0000000, s2;
	s6 =	simm.s32 $0x108;
	_ =	swait.ge @!p0 [sflag:s8], $0x0  }
0x24: {  	s3 =	sadd.s32 $0x88, s3;
	s6 =	simm.s32 @!p1 $0x1082;
	[sflag:s4] =	ssyncset.s32 $0xFFFFF086  }
0x25: {  	[simem:s6], [sflag:s4] =	dma.local [hbm:s3], $0xF7A  }
0x26: {  	[smem:$0x3F96] =	sst s1;
	(tag) =	ssettag s2;
	_ =	strace s9  }
0x27: {  	s1 =	sld [smem:$0x3FA6]  }
0x28: {  	s2 =	sld [smem:$0x3FA7]  }
0x29: {  	s4 =	sld [smem:$0x3FA9]  }
0x2a: {  	p0 =	seq.s32 s5, $0x0;
	s5 =	sld [smem:$0x3FAA]  }
0x2b: {  	s6 =	sld [smem:$0x3FAB]  }
0x2c: {  	s7 =	sld [smem:$0x3FAC]  }
0x2d: {  	s3 =	simm.s32 $0x108;
	s8 =	sld [smem:$0x3FAD]  }
0x2e: {  	s3 =	simm.s32 @!p0 $0x1082;
	s9 =	sld [smem:$0x3FAE]  }
0x2f: {  	lr =	sadd.s32 s0, s3;
	s0 =	sld [smem:$0x3FA5]  }
0x30: {  	s3 =	sld [smem:$0x3FA8]  }
0x31: {  	[smem:$0x3FB1] =	sst s10  }
0x32: {  	s10 =	sld [smem:$0x3FAF];
	_ =	sdelay $0x3  }
0x33: {  	p0 =	seq.s32 s10, $0x1;
	s10 =	sld [smem:$0x3FB1];
	_ =	sdelay $0x3  }
0x34: {  	[smem:$0x3FB1] =	sst s10  }
0x35: {  	s10 =	sld [smem:$0x3FB0];
	_ =	sdelay $0x3  }
0x36: {  	p1 =	seq.s32 s10, $0x1;
	s10 =	sld [smem:$0x3FB1];
	_ =	sdelay $0x3  }
0x37: {  	[smem:$0x3FB1] =	sst s10  }
0x38: {  	s10 =	sld [smem:$0x3FB2]  }
0x39: {  	_ = 	snop;
	(pc) =	sbr.ind lr, $3  }
0x3a: {  	_ = 	snop  }
0x3b: {  	_ = 	snop  }
0x3c: {  	p2 =	seq.s32 s10, $0x1;
	s10 =	sld [smem:$0x3FB1]  }
0x3d: {  	_ =	shalt  }
0x3e: {  	_ =	shalt  }
0x3f: {  	_ =	shalt  }
0x40: {  	_ =	shalt  }
0x41: {  	_ =	shalt  }
0x42: {  	_ =	shalt  }
0x43: {  	_ =	shalt  }
0x44: {  	_ =	shalt  }
0x45: {  	_ =	shalt  }
0x46: {  	_ =	shalt  }
0x47: {  	_ =	shalt  }
0x48: {  	_ =	shalt  }
0x49: {  	_ =	shalt  }
0x4a: {  	_ =	shalt  }
0x4b: {  	_ =	shalt  }
0x4c: {  	_ =	shalt  }
0x4d: {  	_ =	shalt  }
0x4e: {  	_ =	shalt  }
0x4f: {  	_ =	shalt  }
0x50: {  	_ =	shalt  }
0x51: {  	_ =	shalt  }
0x52: {  	_ =	shalt  }
0x53: {  	_ =	shalt  }
0x54: {  	_ =	shalt  }
0x55: {  	_ =	shalt  }
0x56: {  	_ =	shalt  }
0x57: {  	_ =	shalt  }
0x58: {  	_ =	shalt  }
0x59: {  	_ =	shalt  }
0x5a: {  	_ =	shalt  }
0x5b: {  	_ =	shalt  }
0x5c: {  	_ =	shalt  }
0x5d: {  	_ =	shalt  }
0x5e: {  	_ =	shalt  }
0x5f: {  	_ =	shalt  }
0x60: {  	_ =	shalt  }
0x61: {  	_ =	shalt  }
0x62: {  	_ =	shalt  }
0x63: {  	_ =	shalt  }
0x64: {  	_ =	shalt  }
0x65: {  	_ =	shalt  }
0x66: {  	_ =	shalt  }
0x67: {  	_ =	shalt  }
0x68: {  	_ =	shalt  }
0x69: {  	_ =	shalt  }
0x6a: {  	_ =	shalt  }
0x6b: {  	_ =	shalt  }
0x6c: {  	_ =	shalt  }
0x6d: {  	_ =	shalt  }
0x6e: {  	_ =	shalt  }
0x6f: {  	_ =	shalt  }
0x70: {  	_ =	shalt  }
0x71: {  	_ =	shalt  }
0x72: {  	_ =	shalt  }
0x73: {  	_ =	shalt  }
0x74: {  	_ =	shalt  }
0x75: {  	_ =	shalt  }
0x76: {  	_ =	shalt  }
0x77: {  	_ =	shalt  }
0x78: {  	_ =	shalt  }
0x79: {  	_ =	shalt  }
0x7a: {  	_ =	shalt  }
0x7b: {  	_ =	shalt  }
0x7c: {  	_ =	shalt  }
0x7d: {  	_ =	shalt  }
0x7e: {  	_ =	shalt  }
0x7f: {  	_ =	shalt  }
0x80: {  	_ =	shalt  }
0x81: {  	_ =	shalt  }
0x82: {  	_ =	shalt  }
0x83: {  	_ =	shalt  }
0x84: {  	_ =	shalt  }
0x85: {  	_ =	shalt  }
0x86: {  	_ =	shalt  }
0x87: {  	_ =	shalt  }
.Lfunc_end0:
.L_simem_size_0:
called_computation.1_lowered:
.L_overlay_start_0:
0x88: {  	s2 =	sld [smem:$0x3FD9]  }
0x89: {  	s3 =	sld [smem:$0x3FFE];
	_ =	sdelay $0x1  }
0x8a: {  	s1 =	srdreg.scid  }
0x8b: {  	s0 =	sand.u32 $0x1, s1  }
0x8c: {  	s17 =	sshll.u32 s0, $0xA;
	s2 =	sadd.s32 s3, s2  }
0x8d: {  	s2 =	sadd.s32 s2, s17  }
0x8e: {  	[smem:$0x3FBD] =	sst s2  }
0x8f: {  	_ = 	snop  }
0x90: {  	s2 =	sld [smem:$0x3FD0];
	(tm) =	ssettm $0x1  }
0x91: {  	s18 =	sld [smem:$0x3FFB];
	_ =	sdelay $0x3  }
0x92: {  	_ =	strace s18  }
0x93: {  	s3 =	sld [smem:$0x3FFC];
	_ =	sdelay $0x3  }
0x94: {  	_ =	strace s3  }
0x95: {  	s3 =	sld [smem:$0x3FFD];
	_ =	sdelay $0x3  }
0x96: {  	_ =	strace s3  }
0x97: {  	_ =	strace $0x8FFFFFFF  }
0x98: {  	s19 =	sld [smem:$0x3FDB];
	_ =	sdelay $0x1  }
0x99: {  	s4 =	simm.s32 $_scs_section_size  }
0x9a: {  	s5 =	simm.s32 $_size__tile_overlayer_lowered;
	s6 =	simm.s32 $_tile_overlayer_lowered  }
0x9b: {  	s22 =	simm.s32 $0x1BFF;
	s21 =	sshll.u32 s6, $0x1;
	s3 =	sadd.s32 s4, s19  }
0x9c: {  	s7 =	simm.s32 $0x0;
	s20 =	sshll.u32 s5, $0x1;
	s5 =	sadd.s32 s21, s3  }
0x9d: {  	[timem:s7], [sflag:s22] =	dma.local [hbm:s5], s20  }
0x9e: {  	_ =	swait.ge [sflag:s22], s20  }
0x9f: {  	s4 =	ssub.s32 $0x0, s20;
	[sflag:s22] =	ssyncset.done $0x0  }
0xa0: {  	[sflag:s22] =	ssyncadd.s32 s4;
	_ =	sdelay $0x1  }
0xa1: {  	s23 =	simm.s32 $0x1B8B  }
0xa2: {  	_ =	swait.ge [sflag:s23], $0x1  }
0xa3: {  	[sflag:s23] =	ssyncset.done $0x0  }
0xa4: {  	s25 =	simm.s32 $0x1B8E;
	s24 =	sld [smem:$0x3FFE];
	[sflag:s23] =	ssyncadd.s32 $0xFFFFFFFF  }
0xa5: {  	s26 =	simm.s32 $execute0_lowered;
	[smem:$0x3FD2] =	sst s25  }
0xa6: {  	s5 =	sshll.u32 s26, $0x1;
	_ =	strace $0x80000049;
	[dreg:$0x1] =	wrdreg $0xFFFFFFFF  }
0xa7: {  	s28 =	simm.s32 $_size_execute0_lowered;
	s3 =	sadd.s32 s3, s5;
	[dreg:$0x0] =	wrdreg $0x0  }
0xa8: {  	s5 =	sshll.u32 s28, $0x1;
	[dreg:$0x2] =	wrdreg s3  }
0xa9: {  	[dreg:$0x3] =	wrdreg s5  }
0xaa: {  	[dreg:$0x4] =	wrdreg $0xC0  }
0xab: {  	_ =	task [dreg:s7], $0x5FFFF  }
0xac: {  	[dreg:$0x1] =	wrdreg $0xFFFFFFFF  }
0xad: {  	[dreg:$0x0] =	wrdreg $0x60  }
0xae: {  	[dreg:$0x2] =	wrdreg s24  }
0xaf: {  	[dreg:$0x3] =	wrdreg s2  }
0xb0: {  	[dreg:$0x4] =	wrdreg $0x122000  }
0xb1: {  	[dreg:$0x5] =	wrdreg $0x9  }
0xb2: {  	_ =	task.clear_ibuf [dreg:s7], $0x6FFFF;
	_ =	strace $0x90000049  }
0xb3: {  	s29 =	simm.s32 $0x9;
	_ =	strace $0x8000004B  }
0xb4: {  	_ =	swait.ge [sflag:s29], $0x1  }
0xb5: {  	[sflag:s29] =	ssyncadd.s32 $0xFFFFFFFF  }
0xb6: {  	_ =	strace $0x9000004B  }
0xb7: {  	_ =	sfence  }
0xb8: {  	s30 =	sld [smem:$0x0];
	_ =	sdelay $0x2  }
0xb9: {  	s31 =	sshll.u32 s1, $0xD;
	s1 =	sshrl.u32 s1, $0x2  }
0xba: {  	s3 =	sand.u32 $0x4000, s31;
	s1 =	sadd.s32 s1, s30  }
0xbb: {  	s0 =	sor.u32 s3, s0;
	s1 =	sshll.u32 s1, $0x11  }
0xbc: {  	s0 =	sor.u32 s1, s0  }
0xbd: {  	s0 =	sadd.s32 $0x8F2B, s0  }
0xbe: {  	[sflag:s0] =	ssyncadd.remote.s32 $0x1  }
0xbf: {  	_ =	sfence.sel $0xFFFF  }
0xc0: {  	[dreg:$0x0] =	wrdreg $0xFFFFFFFF;
	(pc) =	sbr.abs _section_cstart, $3  }
0xc1: {  	[dreg:$0x1] =	wrdreg $0xFFFFFFFF  }
0xc2: {  	_ =	task.clear_ibuf [dreg:s7], $0x2FFFF;
	_ =	strace $0x9FFFFFFF  }
0xc3: {  	(tm) =	ssettm $0x7FFFFFFF  }
tec
execute0_lowered:
.L_overlay_start_1:
0x0: {  	(tag) =	ssettag $0x1  }
0x1: {  	s1 =	srdreg.scid;
	s5 =	rddreg [dreg:$0x0]  }
0x2: {  	s0 =	stileid.u32;
	s2 =	rddreg [dreg:$0x1]  }
0x3: {  	s3 =	rddreg [dreg:$0x2];
	s4 =	simm.s32 $0x0;
	s15 =	simm.s32 $0x1  }
0x4: {  	s16 =	simm.s32 $0x7D;
	s17 =	simm.s32 $0x4740;
	s18 =	simm.s32 $0x6680  }
0x5: {  	s19 =	simm.s32 $0x85C0;
	s20 =	simm.s32 $0x2;
	s21 =	simm.s32 $0xC440  }
0x6: {  	s22 =	simm.s32 $0xE380;
	s23 =	simm.s32 $0x102C0;
	s8 =	smul.u32 $0x1388, s0  }
0x7: {  	s24 =	simm.s32 $0x0;
	s6 =	sand.u32 $0x1, s1;
	s11 =	smul.u32 $0x27100, s0  }
0x8: {  	s26 =	sshll.u32 s0, $0x1;
	[smem:$0x7FF] =	sst s4;
	s13 =	smul.u32 $0x4E20, s0  }
0x9: {  	s12 =	sadd.s32 $0x774400, s5;
	s29 =	sshll.u32 s0, $0x6;
	s10 =	smul.u32 $0x13880, s6  }
0xa: {  	s1 =	sor.u32 s6, s26;
	s9 =	ssub.s32 $0x2, s6;
	s6 =	smul.u32 $0x2710, s6  }
0xb: {  	s7 =	smul.u32 $0x500, s1;
	s1 =	rddreg [dreg:$0x3];
	_ =	strace $0x8000004A  }
0xc: {  	s14 =	sshrl.u32 s9, $0x1;
	s28 =	sshrl.u32 s11, $0x2;
	s11 =	sadd.s32 s11, s12  }
0xd: {  	s8 =	sadd.s32 s8, s10;
	s9 =	ssub.s32 s9, s14;
	s6 =	sadd.s32 s6, s13  }
0xe: {  	s30 =	sadd.s32 s28, s3;
	s10 =	sadd.s32 s10, s11;
	s13 =	simm.s32 $0x2800  }
0xf: {  	s7 =	sadd.s32 s7, s5;
	s8 =	sadd.s32 s8, s5;
	s5 =	sor.u32 $0x1C03, s29  }
0x10: {  	s31 =	sshll.u32 s6, $0x3;
	s11 =	sshrl.u32 s30, $0x3;
	s6 =	sadd.s32 $0x76A400, s7  }
0x11: {  	s7 =	sadd.s32 $0x3600, s8;
	s14 =	sadd.s32 s12, s31;
	s8 =	smax.u32 s9, $0x1  }
0x12: {  	s12 =	simm.s32 $0x3;
	s9 =	sadd.s32 $0xFA0, s14;
	s14 =	simm.s32 $0xA500  }
.LBB2_1:
0x13: {  	[spmem:s11], [sflag:s5] =	dma.local [hbm:s2], $0x1388  }
0x14: {  	_ =	swait.ge [sflag:s12], $0x1388  }
0x15: {  	[sflag:s12] =	ssyncset.done $0x0  }
0x16: {  	[sflag:s12] =	ssyncadd.s32 $0xFFFFEC78  }
0x17: {  	[tilespmem:s4], [sflag:$0x3] =	stream.linear.gather [hbm4b:s6+s4], $0x2800, $0x38;
	[tilespmem:$0x1BE40] =	vst v63  }
0x18: {  	_ =	swait.ge [sflag:s12], $0x2800  }
0x19: {  	[sflag:s12] =	ssyncset.done $0x0  }
0x1a: {  	[sflag:s12] =	ssyncadd.s32 $0xFFFFD800  }
0x1b: {  	[bflag:$0x0] =	sbarrier.arrive $0xFFFF  }
0x1c: {  	[tilespmem:s13], [sflag:$0x1] =	stream.linear.gather [hbm4b:s10+s4], $0x7D00, $0x38;
	[tilespmem:$0x1BE40] =	vst v63  }
0x1d: {  	_ = 	snop  }
0x1e: {  	[tilespmem:s14], [sflag:$0x2] =	stream.linear.gather [hbm4b:s9+s4], $0x7D00, $0x38;
	[tilespmem:$0x1BE40] =	vst v63  }
0x1f: {  	_ =	swait.ge [sflag:s15], $0x7D00  }
0x20: {  	[sflag:s15] =	ssyncset.done $0x0  }
0x21: {  	s25 =	simm.s32 $0x0;
	[sflag:s15] =	ssyncadd.s32 $0xFFFF8300  }
0x22: {  	[spmem:s3] =	stream.indirect.scatter.add.f32 [tilespmem:s13], [sflag:$0x3], $0x40, s25, s16, $0xb8;
	[tilespmem:$0x1BE40] =	vst v63  }
0x23: {  	_ =	swait.ge [sflag:s12], $0x1F40  }
0x24: {  	[sflag:s12] =	ssyncset.done $0x0  }
0x25: {  	s29 =	simm.s32 $0x80;
	[sflag:s12] =	ssyncadd.s32 $0xFFFFE0C0  }
0x26: {  	[spmem:s3] =	stream.indirect.scatter.add.f32 [tilespmem:s17], [sflag:$0x3], $0x40, s29, s16, $0xb8;
	[tilespmem:$0x1BE40] =	vst v63  }
0x27: {  	_ =	swait.ge [sflag:s12], $0x1F40  }
0x28: {  	[sflag:s12] =	ssyncset.done $0x0  }
0x29: {  	s30 =	simm.s32 $0x100;
	[sflag:s12] =	ssyncadd.s32 $0xFFFFE0C0  }
0x2a: {  	[spmem:s3] =	stream.indirect.scatter.add.f32 [tilespmem:s18], [sflag:$0x3], $0x40, s30, s16, $0xb8;
	[tilespmem:$0x1BE40] =	vst v63  }
0x2b: {  	_ =	swait.ge [sflag:s12], $0x1F40  }
0x2c: {  	[sflag:s12] =	ssyncset.done $0x0  }
0x2d: {  	s31 =	simm.s32 $0x180;
	[sflag:s12] =	ssyncadd.s32 $0xFFFFE0C0  }
0x2e: {  	[spmem:s3] =	stream.indirect.scatter.add.f32 [tilespmem:s19], [sflag:$0x3], $0x40, s31, s16, $0xb8;
	[tilespmem:$0x1BE40] =	vst v63  }
0x2f: {  	_ =	swait.ge [sflag:s12], $0x1F40  }
0x30: {  	[sflag:s12] =	ssyncset.done $0x0  }
0x31: {  	[sflag:s12] =	ssyncadd.s32 $0xFFFFE0C0  }
0x32: {  	_ =	swait.ge [sflag:s20], $0x7D00  }
0x33: {  	[sflag:s20] =	ssyncset.done $0x0  }
0x34: {  	s26 =	simm.s32 $0x200;
	[sflag:s20] =	ssyncadd.s32 $0xFFFF8300  }
0x35: {  	[spmem:s3] =	stream.indirect.scatter.add.f32 [tilespmem:s14], [sflag:$0x3], $0x40, s26, s16, $0xb8;
	[tilespmem:$0x1BE40] =	vst v63  }
0x36: {  	_ =	swait.ge [sflag:s12], $0x1F40  }
0x37: {  	[sflag:s12] =	ssyncset.done $0x0  }
0x38: {  	s29 =	simm.s32 $0x280;
	[sflag:s12] =	ssyncadd.s32 $0xFFFFE0C0  }
0x39: {  	[spmem:s3] =	stream.indirect.scatter.add.f32 [tilespmem:s21], [sflag:$0x3], $0x40, s29, s16, $0xb8;
	[tilespmem:$0x1BE40] =	vst v63  }
0x3a: {  	_ =	swait.ge [sflag:s12], $0x1F40  }
0x3b: {  	[sflag:s12] =	ssyncset.done $0x0  }
0x3c: {  	s30 =	simm.s32 $0x300;
	[sflag:s12] =	ssyncadd.s32 $0xFFFFE0C0  }
0x3d: {  	[spmem:s3] =	stream.indirect.scatter.add.f32 [tilespmem:s22], [sflag:$0x3], $0x40, s30, s16, $0xb8;
	[tilespmem:$0x1BE40] =	vst v63  }
0x3e: {  	_ =	swait.ge [sflag:s12], $0x1F40  }
0x3f: {  	[sflag:s12] =	ssyncset.done $0x0  }
0x40: {  	s31 =	simm.s32 $0x380;
	[sflag:s12] =	ssyncadd.s32 $0xFFFFE0C0  }
0x41: {  	[spmem:s3] =	stream.indirect.scatter.add.f32 [tilespmem:s23], [sflag:$0x3], $0x40, s31, s16, $0xb8;
	[tilespmem:$0x1BE40] =	vst v63  }
0x42: {  	s28 =	smov.u32 s10;
	_ =	swait.ge [sflag:s12], $0x1F40  }
0x43: {  	s25 =	simm.s32 $0x1000;
	s26 =	smov.u32 s9;
	[sflag:s12] =	ssyncset.done $0x0  }
.LBB2_2:
0x44: {  	[sflag:s12] =	ssyncadd.s32 $0xFFFFE0C0;
	s26 =	sadd.s32 $0x1F40, s26;
	s28 =	sadd.s32 $0x1F40, s28  }
0x45: {  	[tilespmem:s13], [sflag:$0x1] =	stream.linear.gather [hbm4b:s28+s4], $0x7D00, $0x38;
	[tilespmem:$0x1BE40] =	vst v63  }
0x46: {  	p0 =	sne.s32 s25, $0x9000;
	s29 =	smov.u32 s25;
	s25 =	sadd.s32 $0x1000, s25  }
0x47: {  	[tilespmem:s14], [sflag:$0x2] =	stream.linear.gather [hbm4b:s26+s4], $0x7D00, $0x38;
	[tilespmem:$0x1BE40] =	vst v63  }
0x48: {  	_ =	swait.ge [sflag:s15], $0x7D00  }
0x49: {  	[sflag:s15] =	ssyncset.done $0x0  }
0x4a: {  	s29 =	sshra.s32 s29, $0x2;
	[sflag:s15] =	ssyncadd.s32 $0xFFFF8300  }
0x4b: {  	[spmem:s3] =	stream.indirect.scatter.add.f32 [tilespmem:s13], [sflag:$0x3], $0x40, s29, s16, $0xb8;
	[tilespmem:$0x1BE40] =	vst v63  }
0x4c: {  	_ =	swait.ge [sflag:s12], $0x1F40  }
0x4d: {  	[sflag:s12] =	ssyncset.done $0x0  }
0x4e: {  	s30 =	sadd.s32 $0x80, s29;
	[sflag:s12] =	ssyncadd.s32 $0xFFFFE0C0  }
0x4f: {  	[spmem:s3] =	stream.indirect.scatter.add.f32 [tilespmem:s17], [sflag:$0x3], $0x40, s30, s16, $0xb8;
	[tilespmem:$0x1BE40] =	vst v63  }
0x50: {  	_ =	swait.ge [sflag:s12], $0x1F40  }
0x51: {  	[sflag:s12] =	ssyncset.done $0x0  }
0x52: {  	s30 =	sadd.s32 $0x100, s29;
	[sflag:s12] =	ssyncadd.s32 $0xFFFFE0C0  }
0x53: {  	[spmem:s3] =	stream.indirect.scatter.add.f32 [tilespmem:s18], [sflag:$0x3], $0x40, s30, s16, $0xb8;
	[tilespmem:$0x1BE40] =	vst v63  }
0x54: {  	_ =	swait.ge [sflag:s12], $0x1F40  }
0x55: {  	[sflag:s12] =	ssyncset.done $0x0  }
0x56: {  	s30 =	sadd.s32 $0x180, s29;
	[sflag:s12] =	ssyncadd.s32 $0xFFFFE0C0  }
0x57: {  	[spmem:s3] =	stream.indirect.scatter.add.f32 [tilespmem:s19], [sflag:$0x3], $0x40, s30, s16, $0xb8;
	[tilespmem:$0x1BE40] =	vst v63  }
0x58: {  	_ =	swait.ge [sflag:s12], $0x1F40  }
0x59: {  	[sflag:s12] =	ssyncset.done $0x0  }
0x5a: {  	[sflag:s12] =	ssyncadd.s32 $0xFFFFE0C0  }
0x5b: {  	_ =	swait.ge [sflag:s20], $0x7D00  }
0x5c: {  	[sflag:s20] =	ssyncset.done $0x0  }
0x5d: {  	s30 =	sadd.s32 $0x200, s29;
	[sflag:s20] =	ssyncadd.s32 $0xFFFF8300  }
0x5e: {  	[spmem:s3] =	stream.indirect.scatter.add.f32 [tilespmem:s14], [sflag:$0x3], $0x40, s30, s16, $0xb8;
	[tilespmem:$0x1BE40] =	vst v63  }
0x5f: {  	_ =	swait.ge [sflag:s12], $0x1F40  }
0x60: {  	[sflag:s12] =	ssyncset.done $0x0  }
0x61: {  	s30 =	sadd.s32 $0x280, s29;
	[sflag:s12] =	ssyncadd.s32 $0xFFFFE0C0  }
0x62: {  	[spmem:s3] =	stream.indirect.scatter.add.f32 [tilespmem:s21], [sflag:$0x3], $0x40, s30, s16, $0xb8;
	[tilespmem:$0x1BE40] =	vst v63  }
0x63: {  	_ =	swait.ge [sflag:s12], $0x1F40  }
0x64: {  	[sflag:s12] =	ssyncset.done $0x0  }
0x65: {  	s30 =	sadd.s32 $0x300, s29;
	[sflag:s12] =	ssyncadd.s32 $0xFFFFE0C0  }
0x66: {  	[spmem:s3] =	stream.indirect.scatter.add.f32 [tilespmem:s22], [sflag:$0x3], $0x40, s30, s16, $0xb8;
	[tilespmem:$0x1BE40] =	vst v63  }
0x67: {  	_ =	swait.ge [sflag:s12], $0x1F40  }
.Ltmp0:
0x68: {  	[sflag:s12] =	ssyncset.done $0x0;
	(pc) =	sbr.rel @p0 .LBB2_2-.Ltmp0, $4  }
0x69: {  	s29 =	sadd.s32 $0x380, s29;
	[sflag:s12] =	ssyncadd.s32 $0xFFFFE0C0  }
0x6a: {  	[spmem:s3] =	stream.indirect.scatter.add.f32 [tilespmem:s23], [sflag:$0x3], $0x40, s29, s16, $0xb8;
	[tilespmem:$0x1BE40] =	vst v63  }
0x6b: {  	_ =	swait.ge [sflag:s12], $0x1F40  }
0x6c: {  	[sflag:s12] =	ssyncset.done $0x0  }
0x6d: {  	s24 =	sadd.s32 $0x1, s24  }
0x6e: {  	[sflag:s12] =	ssyncadd.s32 $0xFFFFE0C0;
	p0 =	sne.s32 s24, s8  }
.Ltmp1:
0x6f: {  	[bflag:$0x0] =	sbarrier.arrive $0xFFFF;
	(pc) =	sbr.rel @p0 .LBB2_1-.Ltmp1, $4  }
0x70: {  	[hbm:s7], [sflag:s5] =	dma.local [spmem:s11], $0x1388  }
0x71: {  	_ =	swait.ge [sflag:s12], $0x1388  }
0x72: {  	[sflag:s12] =	ssyncset.done $0x0  }
0x73: {  	[sflag:s12] =	ssyncadd.s32 $0xFFFFEC78  }
0x74: {  	_ =	sfence.sel $0x180000  }
0x75: {  	[bflag:$0x0] =	sbarrier.arrive $0xFFFF  }
0x76: {  	p0 =	sne.s32 s0, $0x0;
	_ =	strace $0x9000004A  }
0x77: {  	s0 =	sadd.s32 @!p0 $0x100000, s1;
	[bflag:$0x2] =	sbarrier.arrive $0xFFFF  }
0x78: {  	[sflag:s0] =	ssyncadd.tile.s32 @!p0 $0x1;
	_ =	shalt  }
.Lfunc_end2:
_tile_overlayer_lowered:
.L_overlay_start_2:
0x79: {  	(tag) =	ssettag $0x2  }
0x7a: {  	s0 =	rddreg [dreg:$0x0];
	s2 =	stileid.u32  }
0x7b: {  	s1 =	rddreg [dreg:$0x1];
	p0 =	sne.s32 s2, $0x0  }
0x7c: {  	s3 =	rddreg [dreg:$0x2];
	[bflag:$0x3] =	sbarrier.arrive $0xFFFF;
	s2 =	simm.s32 @!p0 $0x1C03  }
0x7d: {  	[timem:s3], [sflag:s2] =	dma.local @!p0 [hbm:s0], s1  }
0x7e: {  	s0 =	simm.s32 @!p0 $0x3  }
0x7f: {  	_ =	swait.ge @!p0 [sflag:s0], s1  }
0x80: {  	s1 =	ssub.s32 @!p0 $0x0, s1;
	[sflag:s0] =	ssyncset.done @!p0 $0x0  }
0x81: {  	[sflag:s0] =	ssyncadd.s32 @!p0 s1  }
0x82: {  	[bflag:$0x3] =	sbarrier.arrive $0xFFFF  }
0x83: {  	_ =	shalt  }

// kernel: kernel.7.cloned.1.call-start
scs
__scs_entry_jumppad:
0x0: {  	(pc) =	sbr.rel $0x88, $3  }
0x1: {  	(tag) =	ssettag $0x0;
	lr =	simm.s32 $0x1  }
0x2: {  	[smem:$0x3F96] =	sst lr;
	_ =	strace $0xD0000000  }
0x3: {  	_ = 	snop  }
0x4: {  	_ = 	snop  }
0x5: {  	_ = 	snop  }
0x6: {  	_ = 	snop  }
0x7: {  	_ = 	snop  }
__scs_overlays_trampoline_lowered:
0x8: {  	[smem:$0x3FA5] =	sst s0  }
0x9: {  	[smem:$0x3FA6] =	sst s1  }
0xa: {  	[smem:$0x3FA7] =	sst s2  }
0xb: {  	[smem:$0x3FA8] =	sst s3  }
0xc: {  	[smem:$0x3FA9] =	sst s4  }
0xd: {  	[smem:$0x3FAA] =	sst s5  }
0xe: {  	[smem:$0x3FAB] =	sst s6  }
0xf: {  	[smem:$0x3FAC] =	sst s7  }
0x10: {  	[smem:$0x3FAD] =	sst s8  }
0x11: {  	[smem:$0x3FAE] =	sst s9;
	s0 =	simm.s32 @!p0 $0x0  }
0x12: {  	s1 =	sld [smem:$0x3F94];
	s0 =	simm.s32 @p0 $0x1  }
0x13: {  	[smem:$0x3FAF] =	sst s0;
	s0 =	simm.s32 @!p1 $0x0  }
0x14: {  	s2 =	sld [smem:$0x3F93];
	s0 =	simm.s32 @p1 $0x1  }
0x15: {  	[smem:$0x3FB0] =	sst s0;
	s0 =	simm.s32 @!p2 $0x0  }
0x16: {  	s3 =	sld [smem:$0x3FDB];
	s0 =	simm.s32 @p2 $0x1  }
0x17: {  	s4 =	simm.s32 $0x1BF5;
	[smem:$0x3FB2] =	sst s0  }
0x18: {  	s0 =	sld [smem:$0x3F95];
	_ =	swait.ge [sflag:s4], $0x0  }
0x19: {  	s7 =	sld [smem:$0x3F96]  }
0x1a: {  	s8 =	sadd.s32 $0xFFFFE003, lr  }
0x1b: {  	s9 =	sadd.s32 $0xFFFFFEF7, lr;
	s5 =	simm.s32 $0xFFFFFFFF;
	p2 =	slt.u32 s8, $0xFFFFF086  }
0x1c: {  	p1 =	slt.u32 s9, $0xF7A;
	s5 =	simm.s32 @!p2 $0x0  }
0x1d: {  	s5 =	simm.s32 @p1 $0x1;
	p0 =	seq.s32 s7, s2  }
0x1e: {  	s7 =	smul.u32 @!p0 $0xF7A, s2;
	p2 =	seq.s32 @!p0 s5, $0x0  }
0x1f: {  	s9 =	smul.u32 $0xF7A, s1;
	s8 =	simm.s32 @!p0 $0x1BF5;
	p2 =	por !p2, p0  }
0x20: {  	[sflag:s8] =	ssyncset.s32 @!p0 $0xFFFFF086;
	s6 =	sadd.s32 @!p0 s3, s7;
	s7 =	simm.s32 @!p0 $0x108  }
0x21: {  	s3 =	sadd.s32 s3, s9;
	s6 =	sadd.s32 @!p0 $0x88, s6;
	s7 =	simm.s32 @p2 $0x1082  }
0x22: {  	[simem:s7], [sflag:s8] =	dma.local @!p0 [hbm:s6], $0xF7A  }
0x23: {  	s9 =	sor.u32 $0xD0000000, s2;
	s6 =	simm.s32 $0x108;
	_ =	swait.ge @!p0 [sflag:s8], $0x0  }
0x24: {  	s3 =	sadd.s32 $0x88, s3;
	s6 =	simm.s32 @!p1 $0x1082;
	[sflag:s4] =	ssyncset.s32 $0xFFFFF086  }
0x25: {  	[simem:s6], [sflag:s4] =	dma.local [hbm:s3], $0xF7A  }
0x26: {  	[smem:$0x3F96] =	sst s1;
	(tag) =	ssettag s2;
	_ =	strace s9  }
0x27: {  	s1 =	sld [smem:$0x3FA6]  }
0x28: {  	s2 =	sld [smem:$0x3FA7]  }
0x29: {  	s4 =	sld [smem:$0x3FA9]  }
0x2a: {  	p0 =	seq.s32 s5, $0x0;
	s5 =	sld [smem:$0x3FAA]  }
0x2b: {  	s6 =	sld [smem:$0x3FAB]  }
0x2c: {  	s7 =	sld [smem:$0x3FAC]  }
0x2d: {  	s3 =	simm.s32 $0x108;
	s8 =	sld [smem:$0x3FAD]  }
0x2e: {  	s3 =	simm.s32 @!p0 $0x1082;
	s9 =	sld [smem:$0x3FAE]  }
0x2f: {  	lr =	sadd.s32 s0, s3;
	s0 =	sld [smem:$0x3FA5]  }
0x30: {  	s3 =	sld [smem:$0x3FA8]  }
0x31: {  	[smem:$0x3FB1] =	sst s10  }
0x32: {  	s10 =	sld [smem:$0x3FAF];
	_ =	sdelay $0x3  }
0x33: {  	p0 =	seq.s32 s10, $0x1;
	s10 =	sld [smem:$0x3FB1];
	_ =	sdelay $0x3  }
0x34: {  	[smem:$0x3FB1] =	sst s10  }
0x35: {  	s10 =	sld [smem:$0x3FB0];
	_ =	sdelay $0x3  }
0x36: {  	p1 =	seq.s32 s10, $0x1;
	s10 =	sld [smem:$0x3FB1];
	_ =	sdelay $0x3  }
0x37: {  	[smem:$0x3FB1] =	sst s10  }
0x38: {  	s10 =	sld [smem:$0x3FB2]  }
0x39: {  	_ = 	snop;
	(pc) =	sbr.ind lr, $3  }
0x3a: {  	_ = 	snop  }
0x3b: {  	_ = 	snop  }
0x3c: {  	p2 =	seq.s32 s10, $0x1;
	s10 =	sld [smem:$0x3FB1]  }
0x3d: {  	_ =	shalt  }
0x3e: {  	_ =	shalt  }
0x3f: {  	_ =	shalt  }
0x40: {  	_ =	shalt  }
0x41: {  	_ =	shalt  }
0x42: {  	_ =	shalt  }
0x43: {  	_ =	shalt  }
0x44: {  	_ =	shalt  }
0x45: {  	_ =	shalt  }
0x46: {  	_ =	shalt  }
0x47: {  	_ =	shalt  }
0x48: {  	_ =	shalt  }
0x49: {  	_ =	shalt  }
0x4a: {  	_ =	shalt  }
0x4b: {  	_ =	shalt  }
0x4c: {  	_ =	shalt  }
0x4d: {  	_ =	shalt  }
0x4e: {  	_ =	shalt  }
0x4f: {  	_ =	shalt  }
0x50: {  	_ =	shalt  }
0x51: {  	_ =	shalt  }
0x52: {  	_ =	shalt  }
0x53: {  	_ =	shalt  }
0x54: {  	_ =	shalt  }
0x55: {  	_ =	shalt  }
0x56: {  	_ =	shalt  }
0x57: {  	_ =	shalt  }
0x58: {  	_ =	shalt  }
0x59: {  	_ =	shalt  }
0x5a: {  	_ =	shalt  }
0x5b: {  	_ =	shalt  }
0x5c: {  	_ =	shalt  }
0x5d: {  	_ =	shalt  }
0x5e: {  	_ =	shalt  }
0x5f: {  	_ =	shalt  }
0x60: {  	_ =	shalt  }
0x61: {  	_ =	shalt  }
0x62: {  	_ =	shalt  }
0x63: {  	_ =	shalt  }
0x64: {  	_ =	shalt  }
0x65: {  	_ =	shalt  }
0x66: {  	_ =	shalt  }
0x67: {  	_ =	shalt  }
0x68: {  	_ =	shalt  }
0x69: {  	_ =	shalt  }
0x6a: {  	_ =	shalt  }
0x6b: {  	_ =	shalt  }
0x6c: {  	_ =	shalt  }
0x6d: {  	_ =	shalt  }
0x6e: {  	_ =	shalt  }
0x6f: {  	_ =	shalt  }
0x70: {  	_ =	shalt  }
0x71: {  	_ =	shalt  }
0x72: {  	_ =	shalt  }
0x73: {  	_ =	shalt  }
0x74: {  	_ =	shalt  }
0x75: {  	_ =	shalt  }
0x76: {  	_ =	shalt  }
0x77: {  	_ =	shalt  }
0x78: {  	_ =	shalt  }
0x79: {  	_ =	shalt  }
0x7a: {  	_ =	shalt  }
0x7b: {  	_ =	shalt  }
0x7c: {  	_ =	shalt  }
0x7d: {  	_ =	shalt  }
0x7e: {  	_ =	shalt  }
0x7f: {  	_ =	shalt  }
0x80: {  	_ =	shalt  }
0x81: {  	_ =	shalt  }
0x82: {  	_ =	shalt  }
0x83: {  	_ =	shalt  }
0x84: {  	_ =	shalt  }
0x85: {  	_ =	shalt  }
0x86: {  	_ =	shalt  }
0x87: {  	_ =	shalt  }
.Lfunc_end0:
.L_simem_size_0:
called_computation_lowered:
.L_overlay_start_0:
0x88: {  	s2 =	sld [smem:$0x3FD9]  }
0x89: {  	s3 =	sld [smem:$0x3FFE];
	_ =	sdelay $0x1  }
0x8a: {  	s1 =	srdreg.scid  }
0x8b: {  	s0 =	sand.u32 $0x1, s1  }
0x8c: {  	s17 =	sshll.u32 s0, $0xA;
	s2 =	sadd.s32 s3, s2  }
0x8d: {  	s2 =	sadd.s32 s2, s17  }
0x8e: {  	[smem:$0x3FBD] =	sst s2  }
0x8f: {  	_ = 	snop  }
0x90: {  	s2 =	sld [smem:$0x3FD0];
	(tm) =	ssettm $0x1  }
0x91: {  	s18 =	sld [smem:$0x3FFB];
	_ =	sdelay $0x3  }
0x92: {  	_ =	strace s18  }
0x93: {  	s3 =	sld [smem:$0x3FFC];
	_ =	sdelay $0x3  }
0x94: {  	_ =	strace s3  }
0x95: {  	s3 =	sld [smem:$0x3FFD];
	_ =	sdelay $0x3  }
0x96: {  	_ =	strace s3  }
0x97: {  	_ =	strace $0x8FFFFFFF  }
0x98: {  	s19 =	sld [smem:$0x3FDB];
	_ =	sdelay $0x1  }
0x99: {  	s4 =	simm.s32 $_scs_section_size  }
0x9a: {  	s5 =	simm.s32 $_size__tile_overlayer_lowered;
	s6 =	simm.s32 $_tile_overlayer_lowered  }
0x9b: {  	s22 =	simm.s32 $0x1BFF;
	s21 =	sshll.u32 s6, $0x1;
	s3 =	sadd.s32 s4, s19  }
0x9c: {  	s7 =	simm.s32 $0x0;
	s20 =	sshll.u32 s5, $0x1;
	s5 =	sadd.s32 s21, s3  }
0x9d: {  	[timem:s7], [sflag:s22] =	dma.local [hbm:s5], s20  }
0x9e: {  	_ =	swait.ge [sflag:s22], s20  }
0x9f: {  	s4 =	ssub.s32 $0x0, s20;
	[sflag:s22] =	ssyncset.done $0x0  }
0xa0: {  	[sflag:s22] =	ssyncadd.s32 s4;
	_ =	sdelay $0x1  }
0xa1: {  	s23 =	simm.s32 $0x1B8B  }
0xa2: {  	_ =	swait.ge [sflag:s23], $0x1  }
0xa3: {  	[sflag:s23] =	ssyncset.done $0x0  }
0xa4: {  	s25 =	simm.s32 $0x1B8E;
	s24 =	sld [smem:$0x3FFE];
	[sflag:s23] =	ssyncadd.s32 $0xFFFFFFFF  }
0xa5: {  	s26 =	simm.s32 $execute0_lowered;
	[smem:$0x3FD2] =	sst s25  }
0xa6: {  	s5 =	sshll.u32 s26, $0x1;
	_ =	strace $0x80000046;
	[dreg:$0x1] =	wrdreg $0xFFFFFFFF  }
0xa7: {  	s28 =	simm.s32 $_size_execute0_lowered;
	s3 =	sadd.s32 s3, s5;
	[dreg:$0x0] =	wrdreg $0x0  }
0xa8: {  	s5 =	sshll.u32 s28, $0x1;
	[dreg:$0x2] =	wrdreg s3  }
0xa9: {  	[dreg:$0x3] =	wrdreg s5  }
0xaa: {  	[dreg:$0x4] =	wrdreg $0xC0  }
0xab: {  	_ =	task [dreg:s7], $0x5FFFF  }
0xac: {  	[dreg:$0x1] =	wrdreg $0xFFFFFFFF  }
0xad: {  	[dreg:$0x0] =	wrdreg $0x60  }
0xae: {  	[dreg:$0x2] =	wrdreg s2  }
0xaf: {  	[dreg:$0x3] =	wrdreg s24  }
0xb0: {  	[dreg:$0x4] =	wrdreg $0x9  }
0xb1: {  	_ =	task.clear_ibuf [dreg:s7], $0x5FFFF;
	_ =	strace $0x90000046  }
0xb2: {  	s29 =	simm.s32 $0x9;
	_ =	strace $0x80000048  }
0xb3: {  	_ =	swait.ge [sflag:s29], $0x1  }
0xb4: {  	[sflag:s29] =	ssyncadd.s32 $0xFFFFFFFF  }
0xb5: {  	_ =	strace $0x90000048  }
0xb6: {  	_ =	sfence  }
0xb7: {  	s30 =	sld [smem:$0x0];
	_ =	sdelay $0x2  }
0xb8: {  	s31 =	sshll.u32 s1, $0xD;
	s1 =	sshrl.u32 s1, $0x2  }
0xb9: {  	s3 =	sand.u32 $0x4000, s31;
	s1 =	sadd.s32 s1, s30  }
0xba: {  	s0 =	sor.u32 s3, s0;
	s1 =	sshll.u32 s1, $0x11  }
0xbb: {  	s0 =	sor.u32 s1, s0  }
0xbc: {  	s0 =	sadd.s32 $0x8F2B, s0  }
0xbd: {  	[sflag:s0] =	ssyncadd.remote.s32 $0x1  }
0xbe: {  	_ =	sfence.sel $0xFFFF  }
0xbf: {  	[dreg:$0x0] =	wrdreg $0xFFFFFFFF;
	(pc) =	sbr.abs _section_cstart, $3  }
0xc0: {  	[dreg:$0x1] =	wrdreg $0xFFFFFFFF  }
0xc1: {  	_ =	task.clear_ibuf [dreg:s7], $0x2FFFF;
	_ =	strace $0x9FFFFFFF  }
0xc2: {  	(tm) =	ssettm $0x7FFFFFFF  }
0xc3: {  	_ =	shalt  }
tec
execute0_lowered:
.L_overlay_start_1:
0x0: {  	(tag) =	ssettag $0x1  }
0x1: {  	s2 =	rddreg [dreg:$0x0];
	s0 =	srdreg.scid  }
0x2: {  	s10 =	stileid.u32;
	s1 =	rddreg [dreg:$0x1]  }
0x3: {  	s3 =	simm.s32 $0x0;
	s11 =	simm.s32 $0x7D;
	s12 =	simm.s32 $0x2800  }
0x4: {  	s14 =	simm.s32 $0x4740;
	s16 =	simm.s32 $0x6680;
	s18 =	simm.s32 $0x85C0  }
0x5: {  	s19 =	simm.s32 $0x1;
	s21 =	simm.s32 $0xA500;
	s23 =	simm.s32 $0xC440  }
0x6: {  	s28 =	simm.s32 $0x102C0;
	s29 =	simm.s32 $0x2;
	s7 =	smul.u32 $0x4E20, s10  }
0x7: {  	s30 =	simm.s32 $0x3;
	s0 =	sand.u32 $0x1, s0;
	s26 =	smul.u32 $0x27100, s10  }
0x8: {  	s31 =	simm.s32 $0x4;
	s4 =	sshll.u32 s10, $0x1;
	s9 =	smul.u32 $0x2710, s0  }
0x9: {  	s4 =	sor.u32 s0, s4;
	s25 =	ssub.s32 $0x2, s0;
	s0 =	smul.u32 $0x13880, s0  }
0xa: {  	[smem:$0x7FF] =	sst s3;
	s10 =	simm.s32 $0x5;
	s5 =	smul.u32 $0x500, s4  }
0xb: {  	_ =	strace $0x80000047;
	s6 =	smul.u32 $0x13880, s4;
	s8 =	sshrl.u32 s25, $0x1  }
0xc: {  	s7 =	sadd.s32 s9, s7;
	s24 =	sadd.s32 s5, s1;
	s1 =	sadd.s32 $0x17400, s1  }
0xd: {  	s5 =	ssub.s32 s25, s8;
	s9 =	sshll.u32 s7, $0x3;
	s25 =	simm.s32 $0xE380  }
0xe: {  	s4 =	sadd.s32 $0xD400, s24;
	s5 =	smax.u32 s5, $0x1;
	s6 =	sadd.s32 s1, s6  }
0xf: {  	s8 =	sadd.s32 s26, s1;
	s1 =	sadd.s32 s1, s9;
	s24 =	simm.s32 $0x300  }
0x10: {  	s26 =	simm.s32 $0x380;
	s7 =	sadd.s32 $0xFA0, s6;
	s0 =	sadd.s32 s0, s8  }
0x11: {  	s17 =	sadd.s32 $0x2EE0, s1;
	s1 =	simm.s32 $0x0;
	s9 =	sadd.s32 $0x1F40, s0  }
.LBB2_1:
0x12: {  	[tilespmem:s3], [sflag:$0x5] =	stream.linear.gather [hbm4b:s4+s3], $0x2800, $0x38;
	[tilespmem:$0x12200] =	vst v63  }
0x13: {  	_ =	swait.ge [sflag:s10], $0x2800  }
0x14: {  	[sflag:s10] =	ssyncset.done $0x0  }
0x15: {  	[sflag:s10] =	ssyncadd.s32 $0xFFFFD800  }
0x16: {  	[tilespmem:s12], [sflag:$0x1] =	stream.indirect.gather [hbm4b:s2+s11], $0x40, s3, s11, $0xb8;
	[tilespmem:$0x12200] =	vst v63  }
0x17: {  	s0 =	simm.s32 $0x80  }
0x18: {  	[tilespmem:s14], [sflag:$0x1] =	stream.indirect.gather [hbm4b:s2+s11], $0x40, s0, s11, $0xb8;
	[tilespmem:$0x12200] =	vst v63  }
0x19: {  	s20 =	simm.s32 $0x100  }
0x1a: {  	[tilespmem:s16], [sflag:$0x1] =	stream.indirect.gather [hbm4b:s2+s11], $0x40, s20, s11, $0xb8;
	[tilespmem:$0x12200] =	vst v63  }
0x1b: {  	s22 =	simm.s32 $0x180  }
0x1c: {  	[tilespmem:s18], [sflag:$0x1] =	stream.indirect.gather [hbm4b:s2+s11], $0x40, s22, s11, $0xb8;
	[tilespmem:$0x12200] =	vst v63  }
0x1d: {  	_ =	swait.ge [sflag:s19], $0x1F40  }
0x1e: {  	[sflag:s19] =	ssyncset.done $0x0  }
0x1f: {  	[sflag:s19] =	ssyncadd.s32 $0xFFFFE0C0  }
0x20: {  	_ =	swait.ge [sflag:s19], $0x1F40  }
0x21: {  	[sflag:s19] =	ssyncset.done $0x0  }
0x22: {  	[sflag:s19] =	ssyncadd.s32 $0xFFFFE0C0  }
0x23: {  	_ =	swait.ge [sflag:s19], $0x1F40  }
0x24: {  	[sflag:s19] =	ssyncset.done $0x0  }
0x25: {  	[sflag:s19] =	ssyncadd.s32 $0xFFFFE0C0  }
0x26: {  	_ =	swait.ge [sflag:s19], $0x1F40  }
0x27: {  	[sflag:s19] =	ssyncset.done $0x0  }
0x28: {  	[sflag:s19] =	ssyncadd.s32 $0xFFFFE0C0  }
0x29: {  	[hbm4b:s6+s3] =	stream.linear.scatter [tilespmem:s12], [sflag:$0x3], $0x7D00, $0x38;
	[tilespmem:$0x12200] =	vst v63  }
0x2a: {  	s8 =	simm.s32 $0x200  }
0x2b: {  	[tilespmem:s21], [sflag:$0x2] =	stream.indirect.gather [hbm4b:s2+s11], $0x40, s8, s11, $0xb8;
	[tilespmem:$0x12200] =	vst v63  }
0x2c: {  	s13 =	simm.s32 $0x280  }
0x2d: {  	[tilespmem:s23], [sflag:$0x2] =	stream.indirect.gather [hbm4b:s2+s11], $0x40, s13, s11, $0xb8;
	[tilespmem:$0x12200] =	vst v63  }
0x2e: {  	_ = 	snop  }
0x2f: {  	[tilespmem:s25], [sflag:$0x2] =	stream.indirect.gather [hbm4b:s2+s11], $0x40, s24, s11, $0xb8;
	[tilespmem:$0x12200] =	vst v63  }
0x30: {  	_ = 	snop  }
0x31: {  	[tilespmem:s28], [sflag:$0x2] =	stream.indirect.gather [hbm4b:s2+s11], $0x40, s26, s11, $0xb8;
	[tilespmem:$0x12200] =	vst v63  }
0x32: {  	_ =	swait.ge [sflag:s29], $0x1F40  }
0x33: {  	[sflag:s29] =	ssyncset.done $0x0  }
0x34: {  	[sflag:s29] =	ssyncadd.s32 $0xFFFFE0C0  }
0x35: {  	_ =	swait.ge [sflag:s29], $0x1F40  }
0x36: {  	[sflag:s29] =	ssyncset.done $0x0  }
0x37: {  	[sflag:s29] =	ssyncadd.s32 $0xFFFFE0C0  }
0x38: {  	_ =	swait.ge [sflag:s29], $0x1F40  }
0x39: {  	[sflag:s29] =	ssyncset.done $0x0  }
0x3a: {  	[sflag:s29] =	ssyncadd.s32 $0xFFFFE0C0  }
0x3b: {  	_ =	swait.ge [sflag:s29], $0x1F40  }
0x3c: {  	[sflag:s29] =	ssyncset.done $0x0  }
0x3d: {  	[sflag:s29] =	ssyncadd.s32 $0xFFFFE0C0  }
0x3e: {  	[hbm4b:s7+s3] =	stream.linear.scatter [tilespmem:s21], [sflag:$0x4], $0x7D00, $0x38;
	[tilespmem:$0x12200] =	vst v63  }
0x3f: {  	_ =	swait.ge [sflag:s30], $0x7D00  }
0x40: {  	[sflag:s30] =	ssyncset.done $0x0  }
0x41: {  	s15 =	simm.s32 $0x400;
	[sflag:s30] =	ssyncadd.s32 $0xFFFF8300  }
0x42: {  	[tilespmem:s12], [sflag:$0x1] =	stream.indirect.gather [hbm4b:s2+s11], $0x40, s15, s11, $0xb8;
	[tilespmem:$0x12200] =	vst v63  }
0x43: {  	s20 =	simm.s32 $0x480  }
0x44: {  	[tilespmem:s14], [sflag:$0x1] =	stream.indirect.gather [hbm4b:s2+s11], $0x40, s20, s11, $0xb8;
	[tilespmem:$0x12200] =	vst v63  }
0x45: {  	s22 =	simm.s32 $0x500  }
0x46: {  	[tilespmem:s16], [sflag:$0x1] =	stream.indirect.gather [hbm4b:s2+s11], $0x40, s22, s11, $0xb8;
	[tilespmem:$0x12200] =	vst v63  }
0x47: {  	s8 =	simm.s32 $0x580  }
0x48: {  	[tilespmem:s18], [sflag:$0x1] =	stream.indirect.gather [hbm4b:s2+s11], $0x40, s8, s11, $0xb8;
	[tilespmem:$0x12200] =	vst v63  }
0x49: {  	_ =	swait.ge [sflag:s19], $0x1F40  }
0x4a: {  	[sflag:s19] =	ssyncset.done $0x0  }
0x4b: {  	[sflag:s19] =	ssyncadd.s32 $0xFFFFE0C0  }
0x4c: {  	_ =	swait.ge [sflag:s19], $0x1F40  }
0x4d: {  	[sflag:s19] =	ssyncset.done $0x0  }
0x4e: {  	[sflag:s19] =	ssyncadd.s32 $0xFFFFE0C0  }
0x4f: {  	_ =	swait.ge [sflag:s19], $0x1F40  }
0x50: {  	[sflag:s19] =	ssyncset.done $0x0  }
0x51: {  	[sflag:s19] =	ssyncadd.s32 $0xFFFFE0C0  }
0x52: {  	_ =	swait.ge [sflag:s19], $0x1F40  }
0x53: {  	[sflag:s19] =	ssyncset.done $0x0  }
0x54: {  	[sflag:s19] =	ssyncadd.s32 $0xFFFFE0C0  }
0x55: {  	[hbm4b:s9+s3] =	stream.linear.scatter [tilespmem:s12], [sflag:$0x3], $0x7D00, $0x38;
	[tilespmem:$0x12200] =	vst v63  }
0x56: {  	_ =	swait.ge [sflag:s31], $0x7D00  }
0x57: {  	[sflag:s31] =	ssyncset.done $0x0  }
0x58: {  	s13 =	simm.s32 $0x600;
	[sflag:s31] =	ssyncadd.s32 $0xFFFF8300  }
0x59: {  	[tilespmem:s21], [sflag:$0x2] =	stream.indirect.gather [hbm4b:s2+s11], $0x40, s13, s11, $0xb8;
	[tilespmem:$0x12200] =	vst v63  }
0x5a: {  	s15 =	simm.s32 $0x680  }
0x5b: {  	[tilespmem:s23], [sflag:$0x2] =	stream.indirect.gather [hbm4b:s2+s11], $0x40, s15, s11, $0xb8;
	[tilespmem:$0x12200] =	vst v63  }
0x5c: {  	s20 =	simm.s32 $0x700  }
0x5d: {  	[tilespmem:s25], [sflag:$0x2] =	stream.indirect.gather [hbm4b:s2+s11], $0x40, s20, s11, $0xb8;
	[tilespmem:$0x12200] =	vst v63  }
0x5e: {  	s22 =	simm.s32 $0x780  }
0x5f: {  	[tilespmem:s28], [sflag:$0x2] =	stream.indirect.gather [hbm4b:s2+s11], $0x40, s22, s11, $0xb8;
	[tilespmem:$0x12200] =	vst v63  }
0x60: {  	_ =	swait.ge [sflag:s29], $0x1F40  }
0x61: {  	[sflag:s29] =	ssyncset.done $0x0  }
0x62: {  	[sflag:s29] =	ssyncadd.s32 $0xFFFFE0C0  }
0x63: {  	_ =	swait.ge [sflag:s29], $0x1F40  }
0x64: {  	[sflag:s29] =	ssyncset.done $0x0  }
0x65: {  	[sflag:s29] =	ssyncadd.s32 $0xFFFFE0C0  }
0x66: {  	_ =	swait.ge [sflag:s29], $0x1F40  }
0x67: {  	[sflag:s29] =	ssyncset.done $0x0  }
0x68: {  	[sflag:s29] =	ssyncadd.s32 $0xFFFFE0C0  }
0x69: {  	_ =	swait.ge [sflag:s29], $0x1F40  }
0x6a: {  	s0 =	simm.s32 $0x1000;
	s8 =	smov.u32 s17;
	[sflag:s29] =	ssyncset.done $0x0  }
0x6b: {  	s13 =	sadd.s32 $0x1F40, s17;
	s15 =	sadd.s32 $0x1F40, s9;
	[sflag:s29] =	ssyncadd.s32 $0xFFFFE0C0  }
.LBB2_2:
0x6c: {  	[hbm4b:s8+s3] =	stream.linear.scatter [tilespmem:s21], [sflag:$0x4], $0x7D00, $0x38;
	[tilespmem:$0x12200] =	vst v63  }
0x6d: {  	s20 =	smov.u32 s0;
	s8 =	smov.u32 s13  }
0x6e: {  	p0 =	sne.s32 s0, $0x8000;
	s0 =	sadd.s32 $0x1000, s0;
	_ =	swait.ge [sflag:s30], $0x7D00  }
0x6f: {  	s20 =	sshra.s32 s20, $0x2;
	[sflag:s30] =	ssyncset.done $0x0  }
0x70: {  	s22 =	sadd.s32 $0x400, s20;
	[sflag:s30] =	ssyncadd.s32 $0xFFFF8300  }
0x71: {  	[tilespmem:s12], [sflag:$0x1] =	stream.indirect.gather [hbm4b:s2+s11], $0x40, s22, s11, $0xb8;
	[tilespmem:$0x12200] =	vst v63  }
0x72: {  	s22 =	sadd.s32 $0x480, s20  }
0x73: {  	[tilespmem:s14], [sflag:$0x1] =	stream.indirect.gather [hbm4b:s2+s11], $0x40, s22, s11, $0xb8;
	[tilespmem:$0x12200] =	vst v63  }
0x74: {  	s22 =	sadd.s32 $0x500, s20  }
0x75: {  	[tilespmem:s16], [sflag:$0x1] =	stream.indirect.gather [hbm4b:s2+s11], $0x40, s22, s11, $0xb8;
	[tilespmem:$0x12200] =	vst v63  }
0x76: {  	s22 =	sadd.s32 $0x580, s20  }
0x77: {  	[tilespmem:s18], [sflag:$0x1] =	stream.indirect.gather [hbm4b:s2+s11], $0x40, s22, s11, $0xb8;
	[tilespmem:$0x12200] =	vst v63  }
0x78: {  	_ =	swait.ge [sflag:s19], $0x1F40  }
0x79: {  	[sflag:s19] =	ssyncset.done $0x0  }
0x7a: {  	[sflag:s19] =	ssyncadd.s32 $0xFFFFE0C0  }
0x7b: {  	_ =	swait.ge [sflag:s19], $0x1F40  }
0x7c: {  	[sflag:s19] =	ssyncset.done $0x0  }
0x7d: {  	[sflag:s19] =	ssyncadd.s32 $0xFFFFE0C0  }
0x7e: {  	_ =	swait.ge [sflag:s19], $0x1F40  }
0x7f: {  	[sflag:s19] =	ssyncset.done $0x0  }
0x80: {  	[sflag:s19] =	ssyncadd.s32 $0xFFFFE0C0  }
0x81: {  	_ =	swait.ge [sflag:s19], $0x1F40  }
0x82: {  	[sflag:s19] =	ssyncset.done $0x0  }
0x83: {  	[sflag:s19] =	ssyncadd.s32 $0xFFFFE0C0  }
0x84: {  	[hbm4b:s15+s3] =	stream.linear.scatter [tilespmem:s12], [sflag:$0x3], $0x7D00, $0x38;
	[tilespmem:$0x12200] =	vst v63  }
0x85: {  	_ =	swait.ge [sflag:s31], $0x7D00  }
0x86: {  	[sflag:s31] =	ssyncset.done $0x0  }
0x87: {  	s22 =	sadd.s32 $0x600, s20;
	[sflag:s31] =	ssyncadd.s32 $0xFFFF8300  }
0x88: {  	[tilespmem:s21], [sflag:$0x2] =	stream.indirect.gather [hbm4b:s2+s11], $0x40, s22, s11, $0xb8;
	[tilespmem:$0x12200] =	vst v63  }
0x89: {  	s22 =	sadd.s32 $0x680, s20  }
0x8a: {  	[tilespmem:s23], [sflag:$0x2] =	stream.indirect.gather [hbm4b:s2+s11], $0x40, s22, s11, $0xb8;
	[tilespmem:$0x12200] =	vst v63  }
0x8b: {  	s22 =	sadd.s32 $0x700, s20  }
0x8c: {  	[tilespmem:s25], [sflag:$0x2] =	stream.indirect.gather [hbm4b:s2+s11], $0x40, s22, s11, $0xb8;
	[tilespmem:$0x12200] =	vst v63  }
0x8d: {  	s20 =	sadd.s32 $0x780, s20  }
0x8e: {  	[tilespmem:s28], [sflag:$0x2] =	stream.indirect.gather [hbm4b:s2+s11], $0x40, s20, s11, $0xb8;
	[tilespmem:$0x12200] =	vst v63  }
0x8f: {  	_ =	swait.ge [sflag:s29], $0x1F40  }
0x90: {  	[sflag:s29] =	ssyncset.done $0x0  }
0x91: {  	[sflag:s29] =	ssyncadd.s32 $0xFFFFE0C0  }
0x92: {  	_ =	swait.ge [sflag:s29], $0x1F40  }
0x93: {  	[sflag:s29] =	ssyncset.done $0x0  }
0x94: {  	[sflag:s29] =	ssyncadd.s32 $0xFFFFE0C0  }
0x95: {  	_ =	swait.ge [sflag:s29], $0x1F40  }
.Ltmp0:
0x96: {  	[sflag:s29] =	ssyncset.done $0x0;
	(pc) =	sbr.rel @p0 .LBB2_2-.Ltmp0, $4  }
0x97: {  	[sflag:s29] =	ssyncadd.s32 $0xFFFFE0C0  }
0x98: {  	_ =	swait.ge [sflag:s29], $0x1F40  }
0x99: {  	[sflag:s29] =	ssyncset.done $0x0  }
0x9a: {  	s13 =	sadd.s32 $0x1F40, s13;
	s15 =	sadd.s32 $0x1F40, s15;
	[sflag:s29] =	ssyncadd.s32 $0xFFFFE0C0  }
0x9b: {  	[hbm4b:s8+s3] =	stream.linear.scatter [tilespmem:s21], [sflag:$0x4], $0x7D00, $0x38;
	[tilespmem:$0x12200] =	vst v63  }
0x9c: {  	s1 =	sadd.s32 $0x1, s1  }
0x9d: {  	_ =	swait.ge [sflag:s30], $0x7D00;
	p0 =	sne.s32 s1, s5  }
.Ltmp1:
0x9e: {  	[sflag:s30] =	ssyncset.done $0x0;
	(pc) =	sbr.rel @p0 .LBB2_1-.Ltmp1, $4  }
0x9f: {  	[sflag:s30] =	ssyncadd.s32 $0xFFFF8300  }
0xa0: {  	_ =	swait.ge [sflag:s31], $0x7D00  }
0xa1: {  	[sflag:s31] =	ssyncset.done $0x0  }
0xa2: {  	[sflag:s31] =	ssyncadd.s32 $0xFFFF8300  }
0xa3: {  	_ =	sfence.sel $0x180000  }
0xa4: {  	[bflag:$0x0] =	sbarrier.arrive $0xFFFF  }
0xa5: {  	_ =	strace $0x90000047  }
0xa6: {  	s0 =	stileid.u32;
	[bflag:$0x2] =	sbarrier.arrive $0xFFFF  }
0xa7: {  	p0 =	sne.s32 s0, $0x0;
	s0 =	rddreg [dreg:$0x2]  }
0xa8: {  	s0 =	sadd.s32 @!p0 $0x100000, s0  }
0xa9: {  	[sflag:s0] =	ssyncadd.tile.s32 @!p0 $0x1;
	_ =	shalt  }
.Lfunc_end2:
_tile_overlayer_lowered:
.L_overlay_start_2:
0xaa: {  	(tag) =	ssettag $0x2  }
0xab: {  	s0 =	rddreg [dreg:$0x0];
	s2 =	stileid.u32  }
0xac: {  	s1 =	rddreg [dreg:$0x1];
	p0 =	sne.s32 s2, $0x0  }
0xad: {  	s3 =	rddreg [dreg:$0x2];
	[bflag:$0x3] =	sbarrier.arrive $0xFFFF;
	s2 =	simm.s32 @!p0 $0x1C05  }
0xae: {  	[timem:s3], [sflag:s2] =	dma.local @!p0 [hbm:s0], s1  }
0xaf: {  	s0 =	simm.s32 @!p0 $0x5  }
0xb0: {  	_ =	swait.ge @!p0 [sflag:s0], s1  }
0xb1: {  	s1 =	ssub.s32 @!p0 $0x0, s1;
	[sflag:s0] =	ssyncset.done @!p0 $0x0  }
0xb2: {  	[sflag:s0] =	ssyncadd.s32 @!p0 s1  }
0xb3: {  	[bflag:$0x3] =	sbarrier.arrive $0xFFFF  }
0xb4: {  	_ =	shalt  }

</sc_bundles>
